<compile_context>
chip_gen: v7x
topology: tpu7x:2x2x1
jax: 0.10.2.dev20260603
libtpu: 0.0.44.dev20260713+nightly
codegen_flags: <defaults>
</compile_context>

<pallas_src>
import functools

import jax
import jax.numpy as jnp
from jax import lax
from jax.experimental import pallas as pl
from jax.experimental.pallas import tpu as pltpu
from jax.experimental.pallas import tpu_sc as plsc

B = 16384
D = 128
NC = 2
NS = 16
NW = NC * NS
BPW = B // NW
CH = 128
NCH = BPW // CH

@functools.cache
def _build_gather(n, off):
    bpw = n // NW
    nch = bpw // CH
    mesh = plsc.VectorSubcoreMesh(
        core_axis_name="c", subcore_axis_name="s", num_cores=NC, num_subcores=NS
    )

    @functools.partial(
        pl.kernel,
        out_type=(
            jax.ShapeDtypeStruct((n, D), jnp.float32),
            jax.ShapeDtypeStruct((n, D), jnp.float32),
        ),
        mesh=mesh,
        scratch_types=[
            pltpu.VMEM((nch, CH), jnp.int32),
            pltpu.VMEM((nch, CH), jnp.int32),
            pltpu.VMEM((7, CH, D), jnp.float32),
            pltpu.SemaphoreType.DMA,
            pltpu.SemaphoreType.DMA,
            pltpu.SemaphoreType.DMA,
            [pltpu.SemaphoreType.DMA] * 7,
            [pltpu.SemaphoreType.DMA] * 7,
        ],
    )
    def _gather(uids, iids, U, Q, out_u, out_q,
                idx_u, idx_q, rows, isem, isem0, isem1, gsems, wsems):
        wid = lax.axis_index("s") * NC + lax.axis_index("c")
        base = off + wid * bpw
        c_u0 = pltpu.async_copy(uids.at[pl.ds(base, CH)], idx_u.at[0], isem0)
        c_q0 = pltpu.async_copy(iids.at[pl.ds(base, CH)], idx_q.at[0], isem1)
        idx_copies = []
        for k in range(1, nch):
            idx_copies.append(
                pltpu.async_copy(uids.at[pl.ds(base + k * CH, CH)],
                                 idx_u.at[k], isem))
            idx_copies.append(
                pltpu.async_copy(iids.at[pl.ds(base + k * CH, CH)],
                                 idx_q.at[k], isem))
        jobs = []
        for k in range(nch):
            jobs.append((U, idx_u, out_u, k))
            jobs.append((Q, idx_q, out_q, k))
        m = len(jobs)
        LAG = 5
        gd = [None] * 7
        wd = [None] * 7
        for j in range(m + LAG):
            if j == 0:
                c_u0.wait()
            elif j == 1:
                c_q0.wait()
            elif j == 2:
                for c in idx_copies:
                    c.wait()
            if j < m:
                slot = j % 7
                if wd[slot] is not None:
                    wd[slot].wait()
                tab, idx, _, k = jobs[j]
                gd[slot] = pltpu.async_copy(tab.at[idx.at[k]], rows.at[slot],
                                            gsems[slot])
            i = j - LAG
            if i >= 0:
                ps = i % 7
                gd[ps].wait()
                _, _, out, pk = jobs[i]
                wd[ps] = pltpu.async_copy(
                    rows.at[ps],
                    out.at[pl.ds(base - off + pk * CH, CH)], wsems[ps])
        for s in range(7):
            if wd[s] is not None:
                wd[s].wait()

    return _gather


BB = 4096


def _mlp_body(u_ref, q_ref, W1x_ref, b1_ref, W2t_ref, b2_ref,
              W3t_ref, b3_ref, pred_ref, score_ref):
    u = u_ref[...]
    q = q_ref[...]
    p = u * q
    c = jnp.concatenate([u, q, p], axis=1)
    g = lax.dot_general(W1x_ref[...], c, (((1,), (1,)), ((), ())),
                        preferred_element_type=jnp.float32)
    pred_ref[...] = g[256]
    h = jnp.maximum(g[:256] + b1_ref[...], 0.0)
    h = jnp.maximum(
        jnp.dot(W2t_ref[...], h,
                preferred_element_type=jnp.float32) + b2_ref[...],
        0.0)
    s = jnp.dot(W3t_ref[...], h,
                preferred_element_type=jnp.float32)
    score_ref[...] = s[0] + b3_ref[0]


def _mlp(n, u_e, q_e, W1t, b1c, W2t, b2c, W3t, b3):
    grid = (n // BB,)
    full = lambda shape: pl.BlockSpec(shape, lambda i: (0,) * len(shape))
    return pl.pallas_call(
        _mlp_body,
        grid=grid,
        in_specs=[
            pl.BlockSpec((BB, D), lambda i: (i, 0)),
            pl.BlockSpec((BB, D), lambda i: (i, 0)),
            full((264, 3 * D)),
            full((256, 1)),
            full((D, 256)),
            full((D, 1)),
            full((8, D)),
            full((1,)),
        ],
        out_specs=[
            pl.BlockSpec((BB,), lambda i: (i,)),
            pl.BlockSpec((BB,), lambda i: (i,)),
        ],
        out_shape=[
            jax.ShapeDtypeStruct((n,), jnp.float32),
            jax.ShapeDtypeStruct((n,), jnp.float32),
        ],
    )(u_e, q_e, W1t, b1c, W2t, b2c, W3t, b3)


NSLICE = 1


def kernel(user_ids, item_ids, U, Q, Bias, W1, b1, W2, b2, W3, b3):
    del Bias
    uids = user_ids.astype(jnp.int32)
    iids = item_ids.astype(jnp.int32)
    W1x = jnp.zeros((264, 3 * D), jnp.float32)
    W1x = W1x.at[:256].set(W1.T).at[256, 2 * D:].set(1.0)
    W2t = W2.T
    W3t = jnp.zeros((8, D), jnp.float32).at[0].set(W3[:, 0])
    b1c = b1[:, None]
    b2c = b2[:, None]
    ns = B // NSLICE
    preds, scores = [], []
    for sl in range(NSLICE):
        u_e, q_e = _build_gather(ns, sl * ns)(uids, iids, U, Q)
        pr, sc = _mlp(ns, u_e, q_e, W1x, b1c, W2t, b2c, W3t, b3)
        preds.append(pr)
        scores.append(sc)
    if NSLICE == 1:
        return (preds[0], scores[0])
    return (jnp.concatenate(preds), jnp.concatenate(scores))

# --- scband reference (transcript-rebuilt; emitter-appended) ---
"""Pipeline reference for scband-multi-task-net-67602785239452 (READ-ONLY COPY).

The authoritative reference and input builder live on the scoring server;
editing this copy changes nothing except your own understanding.
"""

import jax, jax.numpy as jnp
import numpy as np

NUM_USERS = 100000
NUM_ITEMS = 100000
D = 128
BATCH = 16384

def _linear_params(k, fin, fout):
    bound = 1.0 / np.sqrt(fin)
    kw, kb = jax.random.split(k)
    W = jax.random.uniform(kw, (fin, fout), jnp.float32, -bound, bound)
    b = jax.random.uniform(kb, (fout,), jnp.float32, -bound, bound)
    return W, b

def setup_inputs(seed: int = 0):
    key = jax.random.key(seed)
    ks = jax.random.split(key, 8)
    user_ids = jax.random.randint(ks[0], (BATCH,), 0, NUM_USERS)
    item_ids = jax.random.randint(ks[1], (BATCH,), 0, NUM_ITEMS)
    # ScaledEmbedding: normal(0, 1/embedding_dim)
    U = jax.random.normal(ks[2], (NUM_USERS, D), jnp.float32) * (1.0 / D)
    Q = jax.random.normal(ks[3], (NUM_ITEMS, D), jnp.float32) * (1.0 / D)
    # ZeroEmbedding item bias
    Bias = jnp.zeros((NUM_ITEMS, 1), jnp.float32)
    W1, b1 = _linear_params(ks[4], 3 * D, 256)
    W2, b2 = _linear_params(ks[5], 256, 128)
    W3, b3 = _linear_params(ks[6], 128, 1)
    return {"user_ids": user_ids, "item_ids": item_ids, "U": U, "Q": Q, "Bias": Bias,
            "W1": W1, "b1": b1, "W2": W2, "b2": b2, "W3": W3, "b3": b3}

def reference(user_ids, item_ids, U, Q, Bias, W1, b1, W2, b2, W3, b3):
    user_emb = jnp.take(U, user_ids, axis=0)          # [B, D]
    item_emb = jnp.take(Q, item_ids, axis=0)          # [B, D]
    item_bias = jnp.take(Bias, item_ids, axis=0)      # [B, 1]
    elem_prod = user_emb * item_emb                   # [B, D]
    concat = jnp.concatenate([user_emb, item_emb, elem_prod], axis=1)  # [B, 3D]
    h = jax.nn.relu(concat @ W1 + b1)
    h = jax.nn.relu(h @ W2 + b2)
    score = jnp.squeeze(h @ W3 + b3)                  # [B]
    dot_prod = jnp.sum(user_emb * item_emb, axis=1, keepdims=True)  # [B, 1]
    predictions = jnp.squeeze(dot_prod + item_bias)   # [B]
    return (predictions, score)

if __name__ == "__main__":
    import jax
    _d = setup_inputs()
    print(jax.jit(kernel)(*tuple(_d.values())))

</pallas_src>

<mosaic_0001>
#map = affine_map<(d0, d1) -> (0)>
#map1 = affine_map<(d0, d1) -> (0, 0)>
module attributes {stable_mosaic.version = 14 : i64} {
  func.func @_gather(%arg0: i32, %arg1: i32, %arg2: memref<16384xi32, #tpu.memory_space<hbm>>, %arg3: memref<16384xi32, #tpu.memory_space<hbm>>, %arg4: memref<100000x128xf32, #tpu.memory_space<hbm>>, %arg5: memref<100000x128xf32, #tpu.memory_space<hbm>>, %arg6: memref<16384x128xf32, #tpu.memory_space<hbm>>, %arg7: memref<16384x128xf32, #tpu.memory_space<hbm>>, %arg8: memref<4x128xi32, #tpu.memory_space<vmem>>, %arg9: memref<4x128xi32, #tpu.memory_space<vmem>>, %arg10: memref<7x128x128xf32, #tpu.memory_space<vmem>>, %arg11: memref<!tpu.dma_semaphore, #tpu.memory_space<semaphore_mem>>, %arg12: memref<!tpu.dma_semaphore, #tpu.memory_space<semaphore_mem>>, %arg13: memref<!tpu.dma_semaphore, #tpu.memory_space<semaphore_mem>>, %arg14: memref<!tpu.dma_semaphore, #tpu.memory_space<semaphore_mem>>, %arg15: memref<!tpu.dma_semaphore, #tpu.memory_space<semaphore_mem>>, %arg16: memref<!tpu.dma_semaphore, #tpu.memory_space<semaphore_mem>>, %arg17: memref<!tpu.dma_semaphore, #tpu.memory_space<semaphore_mem>>, %arg18: memref<!tpu.dma_semaphore, #tpu.memory_space<semaphore_mem>>, %arg19: memref<!tpu.dma_semaphore, #tpu.memory_space<semaphore_mem>>, %arg20: memref<!tpu.dma_semaphore, #tpu.memory_space<semaphore_mem>>, %arg21: memref<!tpu.dma_semaphore, #tpu.memory_space<semaphore_mem>>, %arg22: memref<!tpu.dma_semaphore, #tpu.memory_space<semaphore_mem>>, %arg23: memref<!tpu.dma_semaphore, #tpu.memory_space<semaphore_mem>>, %arg24: memref<!tpu.dma_semaphore, #tpu.memory_space<semaphore_mem>>, %arg25: memref<!tpu.dma_semaphore, #tpu.memory_space<semaphore_mem>>, %arg26: memref<!tpu.dma_semaphore, #tpu.memory_space<semaphore_mem>>, %arg27: memref<!tpu.dma_semaphore, #tpu.memory_space<semaphore_mem>>) attributes {dimension_semantics = [#tpu.dimension_semantics<core_parallel>, #tpu.dimension_semantics<subcore_parallel>], iteration_bounds = array<i64: 2, 16>, scalar_prefetch = 0 : i64, scratch_operands = 20 : i64, tpu.core_type = #tpu.core_type<sc_vector_subcore>, window_params = [{transform_indices = #map}, {transform_indices = #map}, {transform_indices = #map1}, {transform_indices = #map1}, {transform_indices = #map1}, {transform_indices = #map1}]} {
    %mul3A = arith.constant 2 : i32
    %mul3A_0 = arith.muli %arg1, %mul3A : i32
    %add3A = arith.addi %mul3A_0, %arg0 : i32
    %mul3A_1 = arith.constant 512 : i32
    %mul3A_2 = arith.muli %add3A, %mul3A_1 : i32
    %add3A_3 = arith.constant 0 : i32
    %add3A_4 = arith.addi %add3A_3, %mul3A_2 : i32
    %dma_start3A = arith.constant 0 : i32
    %dma_start3A_5 = arith.constant 0 : i32
    %dma_start3A_6 = tpu.memref_slice %arg8[%dma_start3A, %dma_start3A_5] : memref<4x128xi32, #tpu.memory_space<vmem>> -> memref<1x128xi32, #tpu.memory_space<vmem>>
    %dma_start3A_7 = tpu.memref_squeeze %dma_start3A_6 : memref<1x128xi32, #tpu.memory_space<vmem>> -> memref<128xi32, #tpu.memory_space<vmem>>
    %dma_start3A_8 = tpu.memref_slice %arg2[%add3A_4] : memref<16384xi32, #tpu.memory_space<hbm>> -> memref<128xi32, #tpu.memory_space<hbm>>
    %dma_start3A_9 = arith.constant 0 : i32
    %dma_start3A_10 = tpu.memref_slice %arg8[%dma_start3A, %dma_start3A_9] : memref<4x128xi32, #tpu.memory_space<vmem>> -> memref<1x128xi32, #tpu.memory_space<vmem>>
    %dma_start3A_11 = tpu.memref_squeeze %dma_start3A_10 : memref<1x128xi32, #tpu.memory_space<vmem>> -> memref<128xi32, #tpu.memory_space<vmem>>
    %dma_start3A_12 = tpu.memref_slice %arg2[%add3A_4] : memref<16384xi32, #tpu.memory_space<hbm>> -> memref<128xi32, #tpu.memory_space<hbm>>
    tpu.enqueue_dma source(%dma_start3A_12 : memref<128xi32, #tpu.memory_space<hbm>>) target(%dma_start3A_11 : memref<128xi32, #tpu.memory_space<vmem>>) target_semaphore(%arg12 : memref<!tpu.dma_semaphore, #tpu.memory_space<semaphore_mem>>)
    %dma_start3A_13 = arith.constant 0 : i32
    %dma_start3A_14 = arith.constant 0 : i32
    %dma_start3A_15 = tpu.memref_slice %arg9[%dma_start3A_13, %dma_start3A_14] : memref<4x128xi32, #tpu.memory_space<vmem>> -> memref<1x128xi32, #tpu.memory_space<vmem>>
    %dma_start3A_16 = tpu.memref_squeeze %dma_start3A_15 : memref<1x128xi32, #tpu.memory_space<vmem>> -> memref<128xi32, #tpu.memory_space<vmem>>
    %dma_start3A_17 = tpu.memref_slice %arg3[%add3A_4] : memref<16384xi32, #tpu.memory_space<hbm>> -> memref<128xi32, #tpu.memory_space<hbm>>
    %dma_start3A_18 = arith.constant 0 : i32
    %dma_start3A_19 = tpu.memref_slice %arg9[%dma_start3A_13, %dma_start3A_18] : memref<4x128xi32, #tpu.memory_space<vmem>> -> memref<1x128xi32, #tpu.memory_space<vmem>>
    %dma_start3A_20 = tpu.memref_squeeze %dma_start3A_19 : memref<1x128xi32, #tpu.memory_space<vmem>> -> memref<128xi32, #tpu.memory_space<vmem>>
    %dma_start3A_21 = tpu.memref_slice %arg3[%add3A_4] : memref<16384xi32, #tpu.memory_space<hbm>> -> memref<128xi32, #tpu.memory_space<hbm>>
    tpu.enqueue_dma source(%dma_start3A_21 : memref<128xi32, #tpu.memory_space<hbm>>) target(%dma_start3A_20 : memref<128xi32, #tpu.memory_space<vmem>>) target_semaphore(%arg13 : memref<!tpu.dma_semaphore, #tpu.memory_space<semaphore_mem>>)
    %add3A_22 = arith.constant 128 : i32
    %add3A_23 = arith.addi %add3A_4, %add3A_22 : i32
    %dma_start3A_24 = arith.constant 1 : i32
    %dma_start3A_25 = arith.constant 0 : i32
    %dma_start3A_26 = tpu.memref_slice %arg8[%dma_start3A_24, %dma_start3A_25] : memref<4x128xi32, #tpu.memory_space<vmem>> -> memref<1x128xi32, #tpu.memory_space<vmem>>
    %dma_start3A_27 = tpu.memref_squeeze %dma_start3A_26 : memref<1x128xi32, #tpu.memory_space<vmem>> -> memref<128xi32, #tpu.memory_space<vmem>>
    %dma_start3A_28 = tpu.memref_slice %arg2[%add3A_23] : memref<16384xi32, #tpu.memory_space<hbm>> -> memref<128xi32, #tpu.memory_space<hbm>>
    %dma_start3A_29 = arith.constant 0 : i32
    %dma_start3A_30 = tpu.memref_slice %arg8[%dma_start3A_24, %dma_start3A_29] : memref<4x128xi32, #tpu.memory_space<vmem>> -> memref<1x128xi32, #tpu.memory_space<vmem>>
    %dma_start3A_31 = tpu.memref_squeeze %dma_start3A_30 : memref<1x128xi32, #tpu.memory_space<vmem>> -> memref<128xi32, #tpu.memory_space<vmem>>
    %dma_start3A_32 = tpu.memref_slice %arg2[%add3A_23] : memref<16384xi32, #tpu.memory_space<hbm>> -> memref<128xi32, #tpu.memory_space<hbm>>
    tpu.enqueue_dma source(%dma_start3A_32 : memref<128xi32, #tpu.memory_space<hbm>>) target(%dma_start3A_31 : memref<128xi32, #tpu.memory_space<vmem>>) target_semaphore(%arg11 : memref<!tpu.dma_semaphore, #tpu.memory_space<semaphore_mem>>)
    %add3A_33 = arith.constant 128 : i32
    %add3A_34 = arith.addi %add3A_4, %add3A_33 : i32
    %dma_start3A_35 = arith.constant 1 : i32
    %dma_start3A_36 = arith.constant 0 : i32
    %dma_start3A_37 = tpu.memref_slice %arg9[%dma_start3A_35, %dma_start3A_36] : memref<4x128xi32, #tpu.memory_space<vmem>> -> memref<1x128xi32, #tpu.memory_space<vmem>>
    %dma_start3A_38 = tpu.memref_squeeze %dma_start3A_37 : memref<1x128xi32, #tpu.memory_space<vmem>> -> memref<128xi32, #tpu.memory_space<vmem>>
    %dma_start3A_39 = tpu.memref_slice %arg3[%add3A_34] : memref<16384xi32, #tpu.memory_space<hbm>> -> memref<128xi32, #tpu.memory_space<hbm>>
    %dma_start3A_40 = arith.constant 0 : i32
    %dma_start3A_41 = tpu.memref_slice %arg9[%dma_start3A_35, %dma_start3A_40] : memref<4x128xi32, #tpu.memory_space<vmem>> -> memref<1x128xi32, #tpu.memory_space<vmem>>
    %dma_start3A_42 = tpu.memref_squeeze %dma_start3A_41 : memref<1x128xi32, #tpu.memory_space<vmem>> -> memref<128xi32, #tpu.memory_space<vmem>>
    %dma_start3A_43 = tpu.memref_slice %arg3[%add3A_34] : memref<16384xi32, #tpu.memory_space<hbm>> -> memref<128xi32, #tpu.memory_space<hbm>>
    tpu.enqueue_dma source(%dma_start3A_43 : memref<128xi32, #tpu.memory_space<hbm>>) target(%dma_start3A_42 : memref<128xi32, #tpu.memory_space<vmem>>) target_semaphore(%arg11 : memref<!tpu.dma_semaphore, #tpu.memory_space<semaphore_mem>>)
    %add3A_44 = arith.constant 256 : i32
    %add3A_45 = arith.addi %add3A_4, %add3A_44 : i32
    %dma_start3A_46 = arith.constant 2 : i32
    %dma_start3A_47 = arith.constant 0 : i32
    %dma_start3A_48 = tpu.memref_slice %arg8[%dma_start3A_46, %dma_start3A_47] : memref<4x128xi32, #tpu.memory_space<vmem>> -> memref<1x128xi32, #tpu.memory_space<vmem>>
    %dma_start3A_49 = tpu.memref_squeeze %dma_start3A_48 : memref<1x128xi32, #tpu.memory_space<vmem>> -> memref<128xi32, #tpu.memory_space<vmem>>
    %dma_start3A_50 = tpu.memref_slice %arg2[%add3A_45] : memref<16384xi32, #tpu.memory_space<hbm>> -> memref<128xi32, #tpu.memory_space<hbm>>
    %dma_start3A_51 = arith.constant 0 : i32
    %dma_start3A_52 = tpu.memref_slice %arg8[%dma_start3A_46, %dma_start3A_51] : memref<4x128xi32, #tpu.memory_space<vmem>> -> memref<1x128xi32, #tpu.memory_space<vmem>>
    %dma_start3A_53 = tpu.memref_squeeze %dma_start3A_52 : memref<1x128xi32, #tpu.memory_space<vmem>> -> memref<128xi32, #tpu.memory_space<vmem>>
    %dma_start3A_54 = tpu.memref_slice %arg2[%add3A_45] : memref<16384xi32, #tpu.memory_space<hbm>> -> memref<128xi32, #tpu.memory_space<hbm>>
    tpu.enqueue_dma source(%dma_start3A_54 : memref<128xi32, #tpu.memory_space<hbm>>) target(%dma_start3A_53 : memref<128xi32, #tpu.memory_space<vmem>>) target_semaphore(%arg11 : memref<!tpu.dma_semaphore, #tpu.memory_space<semaphore_mem>>)
    %add3A_55 = arith.constant 256 : i32
    %add3A_56 = arith.addi %add3A_4, %add3A_55 : i32
    %dma_start3A_57 = arith.constant 2 : i32
    %dma_start3A_58 = arith.constant 0 : i32
    %dma_start3A_59 = tpu.memref_slice %arg9[%dma_start3A_57, %dma_start3A_58] : memref<4x128xi32, #tpu.memory_space<vmem>> -> memref<1x128xi32, #tpu.memory_space<vmem>>
    %dma_start3A_60 = tpu.memref_squeeze %dma_start3A_59 : memref<1x128xi32, #tpu.memory_space<vmem>> -> memref<128xi32, #tpu.memory_space<vmem>>
    %dma_start3A_61 = tpu.memref_slice %arg3[%add3A_56] : memref<16384xi32, #tpu.memory_space<hbm>> -> memref<128xi32, #tpu.memory_space<hbm>>
    %dma_start3A_62 = arith.constant 0 : i32
    %dma_start3A_63 = tpu.memref_slice %arg9[%dma_start3A_57, %dma_start3A_62] : memref<4x128xi32, #tpu.memory_space<vmem>> -> memref<1x128xi32, #tpu.memory_space<vmem>>
    %dma_start3A_64 = tpu.memref_squeeze %dma_start3A_63 : memref<1x128xi32, #tpu.memory_space<vmem>> -> memref<128xi32, #tpu.memory_space<vmem>>
    %dma_start3A_65 = tpu.memref_slice %arg3[%add3A_56] : memref<16384xi32, #tpu.memory_space<hbm>> -> memref<128xi32, #tpu.memory_space<hbm>>
    tpu.enqueue_dma source(%dma_start3A_65 : memref<128xi32, #tpu.memory_space<hbm>>) target(%dma_start3A_64 : memref<128xi32, #tpu.memory_space<vmem>>) target_semaphore(%arg11 : memref<!tpu.dma_semaphore, #tpu.memory_space<semaphore_mem>>)
    %add3A_66 = arith.constant 384 : i32
    %add3A_67 = arith.addi %add3A_4, %add3A_66 : i32
    %dma_start3A_68 = arith.constant 3 : i32
    %dma_start3A_69 = arith.constant 0 : i32
    %dma_start3A_70 = tpu.memref_slice %arg8[%dma_start3A_68, %dma_start3A_69] : memref<4x128xi32, #tpu.memory_space<vmem>> -> memref<1x128xi32, #tpu.memory_space<vmem>>
    %dma_start3A_71 = tpu.memref_squeeze %dma_start3A_70 : memref<1x128xi32, #tpu.memory_space<vmem>> -> memref<128xi32, #tpu.memory_space<vmem>>
    %dma_start3A_72 = tpu.memref_slice %arg2[%add3A_67] : memref<16384xi32, #tpu.memory_space<hbm>> -> memref<128xi32, #tpu.memory_space<hbm>>
    %dma_start3A_73 = arith.constant 0 : i32
    %dma_start3A_74 = tpu.memref_slice %arg8[%dma_start3A_68, %dma_start3A_73] : memref<4x128xi32, #tpu.memory_space<vmem>> -> memref<1x128xi32, #tpu.memory_space<vmem>>
    %dma_start3A_75 = tpu.memref_squeeze %dma_start3A_74 : memref<1x128xi32, #tpu.memory_space<vmem>> -> memref<128xi32, #tpu.memory_space<vmem>>
    %dma_start3A_76 = tpu.memref_slice %arg2[%add3A_67] : memref<16384xi32, #tpu.memory_space<hbm>> -> memref<128xi32, #tpu.memory_space<hbm>>
    tpu.enqueue_dma source(%dma_start3A_76 : memref<128xi32, #tpu.memory_space<hbm>>) target(%dma_start3A_75 : memref<128xi32, #tpu.memory_space<vmem>>) target_semaphore(%arg11 : memref<!tpu.dma_semaphore, #tpu.memory_space<semaphore_mem>>)
    %add3A_77 = arith.constant 384 : i32
    %add3A_78 = arith.addi %add3A_4, %add3A_77 : i32
    %dma_start3A_79 = arith.constant 3 : i32
    %dma_start3A_80 = arith.constant 0 : i32
    %dma_start3A_81 = tpu.memref_slice %arg9[%dma_start3A_79, %dma_start3A_80] : memref<4x128xi32, #tpu.memory_space<vmem>> -> memref<1x128xi32, #tpu.memory_space<vmem>>
    %dma_start3A_82 = tpu.memref_squeeze %dma_start3A_81 : memref<1x128xi32, #tpu.memory_space<vmem>> -> memref<128xi32, #tpu.memory_space<vmem>>
    %dma_start3A_83 = tpu.memref_slice %arg3[%add3A_78] : memref<16384xi32, #tpu.memory_space<hbm>> -> memref<128xi32, #tpu.memory_space<hbm>>
    %dma_start3A_84 = arith.constant 0 : i32
    %dma_start3A_85 = tpu.memref_slice %arg9[%dma_start3A_79, %dma_start3A_84] : memref<4x128xi32, #tpu.memory_space<vmem>> -> memref<1x128xi32, #tpu.memory_space<vmem>>
    %dma_start3A_86 = tpu.memref_squeeze %dma_start3A_85 : memref<1x128xi32, #tpu.memory_space<vmem>> -> memref<128xi32, #tpu.memory_space<vmem>>
    %dma_start3A_87 = tpu.memref_slice %arg3[%add3A_78] : memref<16384xi32, #tpu.memory_space<hbm>> -> memref<128xi32, #tpu.memory_space<hbm>>
    tpu.enqueue_dma source(%dma_start3A_87 : memref<128xi32, #tpu.memory_space<hbm>>) target(%dma_start3A_86 : memref<128xi32, #tpu.memory_space<vmem>>) target_semaphore(%arg11 : memref<!tpu.dma_semaphore, #tpu.memory_space<semaphore_mem>>)
    %dma_wait3A = arith.constant 0 : i32
    %dma_wait3A_88 = arith.constant 0 : i32
    %dma_wait3A_89 = tpu.memref_slice %arg8[%dma_wait3A, %dma_wait3A_88] : memref<4x128xi32, #tpu.memory_space<vmem>> -> memref<1x128xi32, #tpu.memory_space<vmem>>
    %dma_wait3A_90 = tpu.memref_squeeze %dma_wait3A_89 : memref<1x128xi32, #tpu.memory_space<vmem>> -> memref<128xi32, #tpu.memory_space<vmem>>
    %dma_wait3A_91 = tpu.memref_slice %arg2[%add3A_4] : memref<16384xi32, #tpu.memory_space<hbm>> -> memref<128xi32, #tpu.memory_space<hbm>>
    %dma_wait3A_92 = arith.constant 0 : i32
    %dma_wait3A_93 = tpu.memref_slice %arg8[%dma_wait3A, %dma_wait3A_92] : memref<4x128xi32, #tpu.memory_space<vmem>> -> memref<1x128xi32, #tpu.memory_space<vmem>>
    %dma_wait3A_94 = tpu.memref_squeeze %dma_wait3A_93 : memref<1x128xi32, #tpu.memory_space<vmem>> -> memref<128xi32, #tpu.memory_space<vmem>>
    %dma_wait3A_95 = tpu.memref_slice %arg2[%add3A_4] : memref<16384xi32, #tpu.memory_space<hbm>> -> memref<128xi32, #tpu.memory_space<hbm>>
    tpu.wait_dma2 semaphore(%arg12 : memref<!tpu.dma_semaphore, #tpu.memory_space<semaphore_mem>>) src(%dma_wait3A_95 : memref<128xi32, #tpu.memory_space<hbm>>) dst(%dma_wait3A_94 : memref<128xi32, #tpu.memory_space<vmem>>)
    %dma_start3A_96 = arith.constant 0 : i32
    %dma_start3A_97 = arith.constant 0 : i32
    %dma_start3A_98 = arith.constant 0 : i32
    %dma_start3A_99 = arith.constant 0 : i32
    %dma_start3A_100 = tpu.memref_slice %arg10[%dma_start3A_97, %dma_start3A_98, %dma_start3A_99] : memref<7x128x128xf32, #tpu.memory_space<vmem>> -> memref<1x128x128xf32, #tpu.memory_space<vmem>>
    %dma_start3A_101 = tpu.memref_squeeze %dma_start3A_100 : memref<1x128x128xf32, #tpu.memory_space<vmem>> -> memref<128x128xf32, #tpu.memory_space<vmem>>
    %dma_start3A_102 = arith.constant 0 : i32
    %dma_start3A_103 = tpu.memref_slice %arg8[%dma_start3A_96, %dma_start3A_102] : memref<4x128xi32, #tpu.memory_space<vmem>> -> memref<1x128xi32, #tpu.memory_space<vmem>>
    %dma_start3A_104 = tpu.memref_squeeze %dma_start3A_103 : memref<1x128xi32, #tpu.memory_space<vmem>> -> memref<128xi32, #tpu.memory_space<vmem>>
    %dma_start3A_105 = arith.constant 0 : i32
    %dma_start3A_106 = arith.constant 0 : i32
    %dma_start3A_107 = tpu.memref_slice %arg4[%dma_start3A_105, %dma_start3A_106] : memref<100000x128xf32, #tpu.memory_space<hbm>> -> memref<100000x128xf32, #tpu.memory_space<hbm>>
    tpu.enqueue_indirect_dma source(%dma_start3A_107 : memref<100000x128xf32, #tpu.memory_space<hbm>>) target(%dma_start3A_101 : memref<128x128xf32, #tpu.memory_space<vmem>>) offsets(%dma_start3A_104 : memref<128xi32, #tpu.memory_space<vmem>>) semaphore(%arg14 : memref<!tpu.dma_semaphore, #tpu.memory_space<semaphore_mem>>)
    %dma_wait3A_108 = arith.constant 0 : i32
    %dma_wait3A_109 = arith.constant 0 : i32
    %dma_wait3A_110 = tpu.memref_slice %arg9[%dma_wait3A_108, %dma_wait3A_109] : memref<4x128xi32, #tpu.memory_space<vmem>> -> memref<1x128xi32, #tpu.memory_space<vmem>>
    %dma_wait3A_111 = tpu.memref_squeeze %dma_wait3A_110 : memref<1x128xi32, #tpu.memory_space<vmem>> -> memref<128xi32, #tpu.memory_space<vmem>>
    %dma_wait3A_112 = tpu.memref_slice %arg3[%add3A_4] : memref<16384xi32, #tpu.memory_space<hbm>> -> memref<128xi32, #tpu.memory_space<hbm>>
    %dma_wait3A_113 = arith.constant 0 : i32
    %dma_wait3A_114 = tpu.memref_slice %arg9[%dma_wait3A_108, %dma_wait3A_113] : memref<4x128xi32, #tpu.memory_space<vmem>> -> memref<1x128xi32, #tpu.memory_space<vmem>>
    %dma_wait3A_115 = tpu.memref_squeeze %dma_wait3A_114 : memref<1x128xi32, #tpu.memory_space<vmem>> -> memref<128xi32, #tpu.memory_space<vmem>>
    %dma_wait3A_116 = tpu.memref_slice %arg3[%add3A_4] : memref<16384xi32, #tpu.memory_space<hbm>> -> memref<128xi32, #tpu.memory_space<hbm>>
    tpu.wait_dma2 semaphore(%arg13 : memref<!tpu.dma_semaphore, #tpu.memory_space<semaphore_mem>>) src(%dma_wait3A_116 : memref<128xi32, #tpu.memory_space<hbm>>) dst(%dma_wait3A_115 : memref<128xi32, #tpu.memory_space<vmem>>)
    %dma_start3A_117 = arith.constant 0 : i32
    %dma_start3A_118 = arith.constant 1 : i32
    %dma_start3A_119 = arith.constant 0 : i32
    %dma_start3A_120 = arith.constant 0 : i32
    %dma_start3A_121 = tpu.memref_slice %arg10[%dma_start3A_118, %dma_start3A_119, %dma_start3A_120] : memref<7x128x128xf32, #tpu.memory_space<vmem>> -> memref<1x128x128xf32, #tpu.memory_space<vmem>>
    %dma_start3A_122 = tpu.memref_squeeze %dma_start3A_121 : memref<1x128x128xf32, #tpu.memory_space<vmem>> -> memref<128x128xf32, #tpu.memory_space<vmem>>
    %dma_start3A_123 = arith.constant 0 : i32
    %dma_start3A_124 = tpu.memref_slice %arg9[%dma_start3A_117, %dma_start3A_123] : memref<4x128xi32, #tpu.memory_space<vmem>> -> memref<1x128xi32, #tpu.memory_space<vmem>>
    %dma_start3A_125 = tpu.memref_squeeze %dma_start3A_124 : memref<1x128xi32, #tpu.memory_space<vmem>> -> memref<128xi32, #tpu.memory_space<vmem>>
    %dma_start3A_126 = arith.constant 0 : i32
    %dma_start3A_127 = arith.constant 0 : i32
    %dma_start3A_128 = tpu.memref_slice %arg5[%dma_start3A_126, %dma_start3A_127] : memref<100000x128xf32, #tpu.memory_space<hbm>> -> memref<100000x128xf32, #tpu.memory_space<hbm>>
    tpu.enqueue_indirect_dma source(%dma_start3A_128 : memref<100000x128xf32, #tpu.memory_space<hbm>>) target(%dma_start3A_122 : memref<128x128xf32, #tpu.memory_space<vmem>>) offsets(%dma_start3A_125 : memref<128xi32, #tpu.memory_space<vmem>>) semaphore(%arg15 : memref<!tpu.dma_semaphore, #tpu.memory_space<semaphore_mem>>)
    %dma_wait3A_129 = arith.constant 1 : i32
    %dma_wait3A_130 = arith.constant 0 : i32
    %dma_wait3A_131 = tpu.memref_slice %arg8[%dma_wait3A_129, %dma_wait3A_130] : memref<4x128xi32, #tpu.memory_space<vmem>> -> memref<1x128xi32, #tpu.memory_space<vmem>>
    %dma_wait3A_132 = tpu.memref_squeeze %dma_wait3A_131 : memref<1x128xi32, #tpu.memory_space<vmem>> -> memref<128xi32, #tpu.memory_space<vmem>>
    %dma_wait3A_133 = tpu.memref_slice %arg2[%add3A_23] : memref<16384xi32, #tpu.memory_space<hbm>> -> memref<128xi32, #tpu.memory_space<hbm>>
    %dma_wait3A_134 = arith.constant 0 : i32
    %dma_wait3A_135 = tpu.memref_slice %arg8[%dma_wait3A_129, %dma_wait3A_134] : memref<4x128xi32, #tpu.memory_space<vmem>> -> memref<1x128xi32, #tpu.memory_space<vmem>>
    %dma_wait3A_136 = tpu.memref_squeeze %dma_wait3A_135 : memref<1x128xi32, #tpu.memory_space<vmem>> -> memref<128xi32, #tpu.memory_space<vmem>>
    %dma_wait3A_137 = tpu.memref_slice %arg2[%add3A_23] : memref<16384xi32, #tpu.memory_space<hbm>> -> memref<128xi32, #tpu.memory_space<hbm>>
    tpu.wait_dma2 semaphore(%arg11 : memref<!tpu.dma_semaphore, #tpu.memory_space<semaphore_mem>>) src(%dma_wait3A_137 : memref<128xi32, #tpu.memory_space<hbm>>) dst(%dma_wait3A_136 : memref<128xi32, #tpu.memory_space<vmem>>)
    %dma_wait3A_138 = arith.constant 1 : i32
    %dma_wait3A_139 = arith.constant 0 : i32
    %dma_wait3A_140 = tpu.memref_slice %arg9[%dma_wait3A_138, %dma_wait3A_139] : memref<4x128xi32, #tpu.memory_space<vmem>> -> memref<1x128xi32, #tpu.memory_space<vmem>>
    %dma_wait3A_141 = tpu.memref_squeeze %dma_wait3A_140 : memref<1x128xi32, #tpu.memory_space<vmem>> -> memref<128xi32, #tpu.memory_space<vmem>>
    %dma_wait3A_142 = tpu.memref_slice %arg3[%add3A_34] : memref<16384xi32, #tpu.memory_space<hbm>> -> memref<128xi32, #tpu.memory_space<hbm>>
    %dma_wait3A_143 = arith.constant 0 : i32
    %dma_wait3A_144 = tpu.memref_slice %arg9[%dma_wait3A_138, %dma_wait3A_143] : memref<4x128xi32, #tpu.memory_space<vmem>> -> memref<1x128xi32, #tpu.memory_space<vmem>>
    %dma_wait3A_145 = tpu.memref_squeeze %dma_wait3A_144 : memref<1x128xi32, #tpu.memory_space<vmem>> -> memref<128xi32, #tpu.memory_space<vmem>>
    %dma_wait3A_146 = tpu.memref_slice %arg3[%add3A_34] : memref<16384xi32, #tpu.memory_space<hbm>> -> memref<128xi32, #tpu.memory_space<hbm>>
    tpu.wait_dma2 semaphore(%arg11 : memref<!tpu.dma_semaphore, #tpu.memory_space<semaphore_mem>>) src(%dma_wait3A_146 : memref<128xi32, #tpu.memory_space<hbm>>) dst(%dma_wait3A_145 : memref<128xi32, #tpu.memory_space<vmem>>)
    %dma_wait3A_147 = arith.constant 2 : i32
    %dma_wait3A_148 = arith.constant 0 : i32
    %dma_wait3A_149 = tpu.memref_slice %arg8[%dma_wait3A_147, %dma_wait3A_148] : memref<4x128xi32, #tpu.memory_space<vmem>> -> memref<1x128xi32, #tpu.memory_space<vmem>>
    %dma_wait3A_150 = tpu.memref_squeeze %dma_wait3A_149 : memref<1x128xi32, #tpu.memory_space<vmem>> -> memref<128xi32, #tpu.memory_space<vmem>>
    %dma_wait3A_151 = tpu.memref_slice %arg2[%add3A_45] : memref<16384xi32, #tpu.memory_space<hbm>> -> memref<128xi32, #tpu.memory_space<hbm>>
    %dma_wait3A_152 = arith.constant 0 : i32
    %dma_wait3A_153 = tpu.memref_slice %arg8[%dma_wait3A_147, %dma_wait3A_152] : memref<4x128xi32, #tpu.memory_space<vmem>> -> memref<1x128xi32, #tpu.memory_space<vmem>>
    %dma_wait3A_154 = tpu.memref_squeeze %dma_wait3A_153 : memref<1x128xi32, #tpu.memory_space<vmem>> -> memref<128xi32, #tpu.memory_space<vmem>>
    %dma_wait3A_155 = tpu.memref_slice %arg2[%add3A_45] : memref<16384xi32, #tpu.memory_space<hbm>> -> memref<128xi32, #tpu.memory_space<hbm>>
    tpu.wait_dma2 semaphore(%arg11 : memref<!tpu.dma_semaphore, #tpu.memory_space<semaphore_mem>>) src(%dma_wait3A_155 : memref<128xi32, #tpu.memory_space<hbm>>) dst(%dma_wait3A_154 : memref<128xi32, #tpu.memory_space<vmem>>)
    %dma_wait3A_156 = arith.constant 2 : i32
    %dma_wait3A_157 = arith.constant 0 : i32
    %dma_wait3A_158 = tpu.memref_slice %arg9[%dma_wait3A_156, %dma_wait3A_157] : memref<4x128xi32, #tpu.memory_space<vmem>> -> memref<1x128xi32, #tpu.memory_space<vmem>>
    %dma_wait3A_159 = tpu.memref_squeeze %dma_wait3A_158 : memref<1x128xi32, #tpu.memory_space<vmem>> -> memref<128xi32, #tpu.memory_space<vmem>>
    %dma_wait3A_160 = tpu.memref_slice %arg3[%add3A_56] : memref<16384xi32, #tpu.memory_space<hbm>> -> memref<128xi32, #tpu.memory_space<hbm>>
    %dma_wait3A_161 = arith.constant 0 : i32
    %dma_wait3A_162 = tpu.memref_slice %arg9[%dma_wait3A_156, %dma_wait3A_161] : memref<4x128xi32, #tpu.memory_space<vmem>> -> memref<1x128xi32, #tpu.memory_space<vmem>>
    %dma_wait3A_163 = tpu.memref_squeeze %dma_wait3A_162 : memref<1x128xi32, #tpu.memory_space<vmem>> -> memref<128xi32, #tpu.memory_space<vmem>>
    %dma_wait3A_164 = tpu.memref_slice %arg3[%add3A_56] : memref<16384xi32, #tpu.memory_space<hbm>> -> memref<128xi32, #tpu.memory_space<hbm>>
    tpu.wait_dma2 semaphore(%arg11 : memref<!tpu.dma_semaphore, #tpu.memory_space<semaphore_mem>>) src(%dma_wait3A_164 : memref<128xi32, #tpu.memory_space<hbm>>) dst(%dma_wait3A_163 : memref<128xi32, #tpu.memory_space<vmem>>)
    %dma_wait3A_165 = arith.constant 3 : i32
    %dma_wait3A_166 = arith.constant 0 : i32
    %dma_wait3A_167 = tpu.memref_slice %arg8[%dma_wait3A_165, %dma_wait3A_166] : memref<4x128xi32, #tpu.memory_space<vmem>> -> memref<1x128xi32, #tpu.memory_space<vmem>>
    %dma_wait3A_168 = tpu.memref_squeeze %dma_wait3A_167 : memref<1x128xi32, #tpu.memory_space<vmem>> -> memref<128xi32, #tpu.memory_space<vmem>>
    %dma_wait3A_169 = tpu.memref_slice %arg2[%add3A_67] : memref<16384xi32, #tpu.memory_space<hbm>> -> memref<128xi32, #tpu.memory_space<hbm>>
    %dma_wait3A_170 = arith.constant 0 : i32
    %dma_wait3A_171 = tpu.memref_slice %arg8[%dma_wait3A_165, %dma_wait3A_170] : memref<4x128xi32, #tpu.memory_space<vmem>> -> memref<1x128xi32, #tpu.memory_space<vmem>>
    %dma_wait3A_172 = tpu.memref_squeeze %dma_wait3A_171 : memref<1x128xi32, #tpu.memory_space<vmem>> -> memref<128xi32, #tpu.memory_space<vmem>>
    %dma_wait3A_173 = tpu.memref_slice %arg2[%add3A_67] : memref<16384xi32, #tpu.memory_space<hbm>> -> memref<128xi32, #tpu.memory_space<hbm>>
    tpu.wait_dma2 semaphore(%arg11 : memref<!tpu.dma_semaphore, #tpu.memory_space<semaphore_mem>>) src(%dma_wait3A_173 : memref<128xi32, #tpu.memory_space<hbm>>) dst(%dma_wait3A_172 : memref<128xi32, #tpu.memory_space<vmem>>)
    %dma_wait3A_174 = arith.constant 3 : i32
    %dma_wait3A_175 = arith.constant 0 : i32
    %dma_wait3A_176 = tpu.memref_slice %arg9[%dma_wait3A_174, %dma_wait3A_175] : memref<4x128xi32, #tpu.memory_space<vmem>> -> memref<1x128xi32, #tpu.memory_space<vmem>>
    %dma_wait3A_177 = tpu.memref_squeeze %dma_wait3A_176 : memref<1x128xi32, #tpu.memory_space<vmem>> -> memref<128xi32, #tpu.memory_space<vmem>>
    %dma_wait3A_178 = tpu.memref_slice %arg3[%add3A_78] : memref<16384xi32, #tpu.memory_space<hbm>> -> memref<128xi32, #tpu.memory_space<hbm>>
    %dma_wait3A_179 = arith.constant 0 : i32
    %dma_wait3A_180 = tpu.memref_slice %arg9[%dma_wait3A_174, %dma_wait3A_179] : memref<4x128xi32, #tpu.memory_space<vmem>> -> memref<1x128xi32, #tpu.memory_space<vmem>>
    %dma_wait3A_181 = tpu.memref_squeeze %dma_wait3A_180 : memref<1x128xi32, #tpu.memory_space<vmem>> -> memref<128xi32, #tpu.memory_space<vmem>>
    %dma_wait3A_182 = tpu.memref_slice %arg3[%add3A_78] : memref<16384xi32, #tpu.memory_space<hbm>> -> memref<128xi32, #tpu.memory_space<hbm>>
    tpu.wait_dma2 semaphore(%arg11 : memref<!tpu.dma_semaphore, #tpu.memory_space<semaphore_mem>>) src(%dma_wait3A_182 : memref<128xi32, #tpu.memory_space<hbm>>) dst(%dma_wait3A_181 : memref<128xi32, #tpu.memory_space<vmem>>)
    %dma_start3A_183 = arith.constant 1 : i32
    %dma_start3A_184 = arith.constant 2 : i32
    %dma_start3A_185 = arith.constant 0 : i32
    %dma_start3A_186 = arith.constant 0 : i32
    %dma_start3A_187 = tpu.memref_slice %arg10[%dma_start3A_184, %dma_start3A_185, %dma_start3A_186] : memref<7x128x128xf32, #tpu.memory_space<vmem>> -> memref<1x128x128xf32, #tpu.memory_space<vmem>>
    %dma_start3A_188 = tpu.memref_squeeze %dma_start3A_187 : memref<1x128x128xf32, #tpu.memory_space<vmem>> -> memref<128x128xf32, #tpu.memory_space<vmem>>
    %dma_start3A_189 = arith.constant 0 : i32
    %dma_start3A_190 = tpu.memref_slice %arg8[%dma_start3A_183, %dma_start3A_189] : memref<4x128xi32, #tpu.memory_space<vmem>> -> memref<1x128xi32, #tpu.memory_space<vmem>>
    %dma_start3A_191 = tpu.memref_squeeze %dma_start3A_190 : memref<1x128xi32, #tpu.memory_space<vmem>> -> memref<128xi32, #tpu.memory_space<vmem>>
    %dma_start3A_192 = arith.constant 0 : i32
    %dma_start3A_193 = arith.constant 0 : i32
    %dma_start3A_194 = tpu.memref_slice %arg4[%dma_start3A_192, %dma_start3A_193] : memref<100000x128xf32, #tpu.memory_space<hbm>> -> memref<100000x128xf32, #tpu.memory_space<hbm>>
    tpu.enqueue_indirect_dma source(%dma_start3A_194 : memref<100000x128xf32, #tpu.memory_space<hbm>>) target(%dma_start3A_188 : memref<128x128xf32, #tpu.memory_space<vmem>>) offsets(%dma_start3A_191 : memref<128xi32, #tpu.memory_space<vmem>>) semaphore(%arg16 : memref<!tpu.dma_semaphore, #tpu.memory_space<semaphore_mem>>)
    %dma_start3A_195 = arith.constant 1 : i32
    %dma_start3A_196 = arith.constant 3 : i32
    %dma_start3A_197 = arith.constant 0 : i32
    %dma_start3A_198 = arith.constant 0 : i32
    %dma_start3A_199 = tpu.memref_slice %arg10[%dma_start3A_196, %dma_start3A_197, %dma_start3A_198] : memref<7x128x128xf32, #tpu.memory_space<vmem>> -> memref<1x128x128xf32, #tpu.memory_space<vmem>>
    %dma_start3A_200 = tpu.memref_squeeze %dma_start3A_199 : memref<1x128x128xf32, #tpu.memory_space<vmem>> -> memref<128x128xf32, #tpu.memory_space<vmem>>
    %dma_start3A_201 = arith.constant 0 : i32
    %dma_start3A_202 = tpu.memref_slice %arg9[%dma_start3A_195, %dma_start3A_201] : memref<4x128xi32, #tpu.memory_space<vmem>> -> memref<1x128xi32, #tpu.memory_space<vmem>>
    %dma_start3A_203 = tpu.memref_squeeze %dma_start3A_202 : memref<1x128xi32, #tpu.memory_space<vmem>> -> memref<128xi32, #tpu.memory_space<vmem>>
    %dma_start3A_204 = arith.constant 0 : i32
    %dma_start3A_205 = arith.constant 0 : i32
    %dma_start3A_206 = tpu.memref_slice %arg5[%dma_start3A_204, %dma_start3A_205] : memref<100000x128xf32, #tpu.memory_space<hbm>> -> memref<100000x128xf32, #tpu.memory_space<hbm>>
    tpu.enqueue_indirect_dma source(%dma_start3A_206 : memref<100000x128xf32, #tpu.memory_space<hbm>>) target(%dma_start3A_200 : memref<128x128xf32, #tpu.memory_space<vmem>>) offsets(%dma_start3A_203 : memref<128xi32, #tpu.memory_space<vmem>>) semaphore(%arg17 : memref<!tpu.dma_semaphore, #tpu.memory_space<semaphore_mem>>)
    %dma_start3A_207 = arith.constant 2 : i32
    %dma_start3A_208 = arith.constant 4 : i32
    %dma_start3A_209 = arith.constant 0 : i32
    %dma_start3A_210 = arith.constant 0 : i32
    %dma_start3A_211 = tpu.memref_slice %arg10[%dma_start3A_208, %dma_start3A_209, %dma_start3A_210] : memref<7x128x128xf32, #tpu.memory_space<vmem>> -> memref<1x128x128xf32, #tpu.memory_space<vmem>>
    %dma_start3A_212 = tpu.memref_squeeze %dma_start3A_211 : memref<1x128x128xf32, #tpu.memory_space<vmem>> -> memref<128x128xf32, #tpu.memory_space<vmem>>
    %dma_start3A_213 = arith.constant 0 : i32
    %dma_start3A_214 = tpu.memref_slice %arg8[%dma_start3A_207, %dma_start3A_213] : memref<4x128xi32, #tpu.memory_space<vmem>> -> memref<1x128xi32, #tpu.memory_space<vmem>>
    %dma_start3A_215 = tpu.memref_squeeze %dma_start3A_214 : memref<1x128xi32, #tpu.memory_space<vmem>> -> memref<128xi32, #tpu.memory_space<vmem>>
    %dma_start3A_216 = arith.constant 0 : i32
    %dma_start3A_217 = arith.constant 0 : i32
    %dma_start3A_218 = tpu.memref_slice %arg4[%dma_start3A_216, %dma_start3A_217] : memref<100000x128xf32, #tpu.memory_space<hbm>> -> memref<100000x128xf32, #tpu.memory_space<hbm>>
    tpu.enqueue_indirect_dma source(%dma_start3A_218 : memref<100000x128xf32, #tpu.memory_space<hbm>>) target(%dma_start3A_212 : memref<128x128xf32, #tpu.memory_space<vmem>>) offsets(%dma_start3A_215 : memref<128xi32, #tpu.memory_space<vmem>>) semaphore(%arg18 : memref<!tpu.dma_semaphore, #tpu.memory_space<semaphore_mem>>)
    %dma_start3A_219 = arith.constant 2 : i32
    %dma_start3A_220 = arith.constant 5 : i32
    %dma_start3A_221 = arith.constant 0 : i32
    %dma_start3A_222 = arith.constant 0 : i32
    %dma_start3A_223 = tpu.memref_slice %arg10[%dma_start3A_220, %dma_start3A_221, %dma_start3A_222] : memref<7x128x128xf32, #tpu.memory_space<vmem>> -> memref<1x128x128xf32, #tpu.memory_space<vmem>>
    %dma_start3A_224 = tpu.memref_squeeze %dma_start3A_223 : memref<1x128x128xf32, #tpu.memory_space<vmem>> -> memref<128x128xf32, #tpu.memory_space<vmem>>
    %dma_start3A_225 = arith.constant 0 : i32
    %dma_start3A_226 = tpu.memref_slice %arg9[%dma_start3A_219, %dma_start3A_225] : memref<4x128xi32, #tpu.memory_space<vmem>> -> memref<1x128xi32, #tpu.memory_space<vmem>>
    %dma_start3A_227 = tpu.memref_squeeze %dma_start3A_226 : memref<1x128xi32, #tpu.memory_space<vmem>> -> memref<128xi32, #tpu.memory_space<vmem>>
    %dma_start3A_228 = arith.constant 0 : i32
    %dma_start3A_229 = arith.constant 0 : i32
    %dma_start3A_230 = tpu.memref_slice %arg5[%dma_start3A_228, %dma_start3A_229] : memref<100000x128xf32, #tpu.memory_space<hbm>> -> memref<100000x128xf32, #tpu.memory_space<hbm>>
    tpu.enqueue_indirect_dma source(%dma_start3A_230 : memref<100000x128xf32, #tpu.memory_space<hbm>>) target(%dma_start3A_224 : memref<128x128xf32, #tpu.memory_space<vmem>>) offsets(%dma_start3A_227 : memref<128xi32, #tpu.memory_space<vmem>>) semaphore(%arg19 : memref<!tpu.dma_semaphore, #tpu.memory_space<semaphore_mem>>)
    %dma_wait3A_231 = arith.constant 0 : i32
    %dma_wait3A_232 = arith.constant 0 : i32
    %dma_wait3A_233 = arith.constant 0 : i32
    %dma_wait3A_234 = arith.constant 0 : i32
    %dma_wait3A_235 = tpu.memref_slice %arg10[%dma_wait3A_232, %dma_wait3A_233, %dma_wait3A_234] : memref<7x128x128xf32, #tpu.memory_space<vmem>> -> memref<1x128x128xf32, #tpu.memory_space<vmem>>
    %dma_wait3A_236 = tpu.memref_squeeze %dma_wait3A_235 : memref<1x128x128xf32, #tpu.memory_space<vmem>> -> memref<128x128xf32, #tpu.memory_space<vmem>>
    %dma_wait3A_237 = arith.constant 0 : i32
    %dma_wait3A_238 = tpu.memref_slice %arg8[%dma_wait3A_231, %dma_wait3A_237] : memref<4x128xi32, #tpu.memory_space<vmem>> -> memref<1x128xi32, #tpu.memory_space<vmem>>
    %dma_wait3A_239 = tpu.memref_squeeze %dma_wait3A_238 : memref<1x128xi32, #tpu.memory_space<vmem>> -> memref<128xi32, #tpu.memory_space<vmem>>
    %dma_wait3A_240 = arith.constant 0 : i32
    %dma_wait3A_241 = arith.constant 0 : i32
    %dma_wait3A_242 = tpu.memref_slice %arg4[%dma_wait3A_240, %dma_wait3A_241] : memref<100000x128xf32, #tpu.memory_space<hbm>> -> memref<100000x128xf32, #tpu.memory_space<hbm>>
    tpu.wait_indirect_dma semaphore(%arg14 : memref<!tpu.dma_semaphore, #tpu.memory_space<semaphore_mem>>) src(%dma_wait3A_242 : memref<100000x128xf32, #tpu.memory_space<hbm>>) dst(%dma_wait3A_236 : memref<128x128xf32, #tpu.memory_space<vmem>>)
    %sub3A = arith.constant 0 : i32
    %sub3A_243 = arith.subi %add3A_4, %sub3A : i32
    %add3A_244 = arith.constant 0 : i32
    %add3A_245 = arith.addi %sub3A_243, %add3A_244 : i32
    %dma_start3A_246 = arith.constant 0 : i32
    %dma_start3A_247 = arith.constant 0 : i32
    %dma_start3A_248 = arith.constant 0 : i32
    %dma_start3A_249 = tpu.memref_slice %arg10[%dma_start3A_246, %dma_start3A_247, %dma_start3A_248] : memref<7x128x128xf32, #tpu.memory_space<vmem>> -> memref<1x128x128xf32, #tpu.memory_space<vmem>>
    %dma_start3A_250 = tpu.memref_squeeze %dma_start3A_249 : memref<1x128x128xf32, #tpu.memory_space<vmem>> -> memref<128x128xf32, #tpu.memory_space<vmem>>
    %dma_start3A_251 = arith.constant 0 : i32
    %dma_start3A_252 = tpu.memref_slice %arg6[%add3A_245, %dma_start3A_251] : memref<16384x128xf32, #tpu.memory_space<hbm>> -> memref<128x128xf32, #tpu.memory_space<hbm>>
    %dma_start3A_253 = arith.constant 0 : i32
    %dma_start3A_254 = tpu.memref_slice %arg6[%add3A_245, %dma_start3A_253] : memref<16384x128xf32, #tpu.memory_space<hbm>> -> memref<128x128xf32, #tpu.memory_space<hbm>>
    %dma_start3A_255 = arith.constant 0 : i32
    %dma_start3A_256 = arith.constant 0 : i32
    %dma_start3A_257 = tpu.memref_slice %arg10[%dma_start3A_246, %dma_start3A_255, %dma_start3A_256] : memref<7x128x128xf32, #tpu.memory_space<vmem>> -> memref<1x128x128xf32, #tpu.memory_space<vmem>>
    %dma_start3A_258 = tpu.memref_squeeze %dma_start3A_257 : memref<1x128x128xf32, #tpu.memory_space<vmem>> -> memref<128x128xf32, #tpu.memory_space<vmem>>
    tpu.enqueue_dma source(%dma_start3A_258 : memref<128x128xf32, #tpu.memory_space<vmem>>) target(%dma_start3A_254 : memref<128x128xf32, #tpu.memory_space<hbm>>) target_semaphore(%arg21 : memref<!tpu.dma_semaphore, #tpu.memory_space<semaphore_mem>>)
    %dma_start3A_259 = arith.constant 3 : i32
    %dma_start3A_260 = arith.constant 6 : i32
    %dma_start3A_261 = arith.constant 0 : i32
    %dma_start3A_262 = arith.constant 0 : i32
    %dma_start3A_263 = tpu.memref_slice %arg10[%dma_start3A_260, %dma_start3A_261, %dma_start3A_262] : memref<7x128x128xf32, #tpu.memory_space<vmem>> -> memref<1x128x128xf32, #tpu.memory_space<vmem>>
    %dma_start3A_264 = tpu.memref_squeeze %dma_start3A_263 : memref<1x128x128xf32, #tpu.memory_space<vmem>> -> memref<128x128xf32, #tpu.memory_space<vmem>>
    %dma_start3A_265 = arith.constant 0 : i32
    %dma_start3A_266 = tpu.memref_slice %arg8[%dma_start3A_259, %dma_start3A_265] : memref<4x128xi32, #tpu.memory_space<vmem>> -> memref<1x128xi32, #tpu.memory_space<vmem>>
    %dma_start3A_267 = tpu.memref_squeeze %dma_start3A_266 : memref<1x128xi32, #tpu.memory_space<vmem>> -> memref<128xi32, #tpu.memory_space<vmem>>
    %dma_start3A_268 = arith.constant 0 : i32
    %dma_start3A_269 = arith.constant 0 : i32
    %dma_start3A_270 = tpu.memref_slice %arg4[%dma_start3A_268, %dma_start3A_269] : memref<100000x128xf32, #tpu.memory_space<hbm>> -> memref<100000x128xf32, #tpu.memory_space<hbm>>
    tpu.enqueue_indirect_dma source(%dma_start3A_270 : memref<100000x128xf32, #tpu.memory_space<hbm>>) target(%dma_start3A_264 : memref<128x128xf32, #tpu.memory_space<vmem>>) offsets(%dma_start3A_267 : memref<128xi32, #tpu.memory_space<vmem>>) semaphore(%arg20 : memref<!tpu.dma_semaphore, #tpu.memory_space<semaphore_mem>>)
    %dma_wait3A_271 = arith.constant 0 : i32
    %dma_wait3A_272 = arith.constant 1 : i32
    %dma_wait3A_273 = arith.constant 0 : i32
    %dma_wait3A_274 = arith.constant 0 : i32
    %dma_wait3A_275 = tpu.memref_slice %arg10[%dma_wait3A_272, %dma_wait3A_273, %dma_wait3A_274] : memref<7x128x128xf32, #tpu.memory_space<vmem>> -> memref<1x128x128xf32, #tpu.memory_space<vmem>>
    %dma_wait3A_276 = tpu.memref_squeeze %dma_wait3A_275 : memref<1x128x128xf32, #tpu.memory_space<vmem>> -> memref<128x128xf32, #tpu.memory_space<vmem>>
    %dma_wait3A_277 = arith.constant 0 : i32
    %dma_wait3A_278 = tpu.memref_slice %arg9[%dma_wait3A_271, %dma_wait3A_277] : memref<4x128xi32, #tpu.memory_space<vmem>> -> memref<1x128xi32, #tpu.memory_space<vmem>>
    %dma_wait3A_279 = tpu.memref_squeeze %dma_wait3A_278 : memref<1x128xi32, #tpu.memory_space<vmem>> -> memref<128xi32, #tpu.memory_space<vmem>>
    %dma_wait3A_280 = arith.constant 0 : i32
    %dma_wait3A_281 = arith.constant 0 : i32
    %dma_wait3A_282 = tpu.memref_slice %arg5[%dma_wait3A_280, %dma_wait3A_281] : memref<100000x128xf32, #tpu.memory_space<hbm>> -> memref<100000x128xf32, #tpu.memory_space<hbm>>
    tpu.wait_indirect_dma semaphore(%arg15 : memref<!tpu.dma_semaphore, #tpu.memory_space<semaphore_mem>>) src(%dma_wait3A_282 : memref<100000x128xf32, #tpu.memory_space<hbm>>) dst(%dma_wait3A_276 : memref<128x128xf32, #tpu.memory_space<vmem>>)
    %sub3A_283 = arith.constant 0 : i32
    %sub3A_284 = arith.subi %add3A_4, %sub3A_283 : i32
    %add3A_285 = arith.constant 0 : i32
    %add3A_286 = arith.addi %sub3A_284, %add3A_285 : i32
    %dma_start3A_287 = arith.constant 1 : i32
    %dma_start3A_288 = arith.constant 0 : i32
    %dma_start3A_289 = arith.constant 0 : i32
    %dma_start3A_290 = tpu.memref_slice %arg10[%dma_start3A_287, %dma_start3A_288, %dma_start3A_289] : memref<7x128x128xf32, #tpu.memory_space<vmem>> -> memref<1x128x128xf32, #tpu.memory_space<vmem>>
    %dma_start3A_291 = tpu.memref_squeeze %dma_start3A_290 : memref<1x128x128xf32, #tpu.memory_space<vmem>> -> memref<128x128xf32, #tpu.memory_space<vmem>>
    %dma_start3A_292 = arith.constant 0 : i32
    %dma_start3A_293 = tpu.memref_slice %arg7[%add3A_286, %dma_start3A_292] : memref<16384x128xf32, #tpu.memory_space<hbm>> -> memref<128x128xf32, #tpu.memory_space<hbm>>
    %dma_start3A_294 = arith.constant 0 : i32
    %dma_start3A_295 = tpu.memref_slice %arg7[%add3A_286, %dma_start3A_294] : memref<16384x128xf32, #tpu.memory_space<hbm>> -> memref<128x128xf32, #tpu.memory_space<hbm>>
    %dma_start3A_296 = arith.constant 0 : i32
    %dma_start3A_297 = arith.constant 0 : i32
    %dma_start3A_298 = tpu.memref_slice %arg10[%dma_start3A_287, %dma_start3A_296, %dma_start3A_297] : memref<7x128x128xf32, #tpu.memory_space<vmem>> -> memref<1x128x128xf32, #tpu.memory_space<vmem>>
    %dma_start3A_299 = tpu.memref_squeeze %dma_start3A_298 : memref<1x128x128xf32, #tpu.memory_space<vmem>> -> memref<128x128xf32, #tpu.memory_space<vmem>>
    tpu.enqueue_dma source(%dma_start3A_299 : memref<128x128xf32, #tpu.memory_space<vmem>>) target(%dma_start3A_295 : memref<128x128xf32, #tpu.memory_space<hbm>>) target_semaphore(%arg22 : memref<!tpu.dma_semaphore, #tpu.memory_space<semaphore_mem>>)
    %dma_wait3A_300 = arith.constant 0 : i32
    %dma_wait3A_301 = arith.constant 0 : i32
    %dma_wait3A_302 = arith.constant 0 : i32
    %dma_wait3A_303 = tpu.memref_slice %arg10[%dma_wait3A_300, %dma_wait3A_301, %dma_wait3A_302] : memref<7x128x128xf32, #tpu.memory_space<vmem>> -> memref<1x128x128xf32, #tpu.memory_space<vmem>>
    %dma_wait3A_304 = tpu.memref_squeeze %dma_wait3A_303 : memref<1x128x128xf32, #tpu.memory_space<vmem>> -> memref<128x128xf32, #tpu.memory_space<vmem>>
    %dma_wait3A_305 = arith.constant 0 : i32
    %dma_wait3A_306 = tpu.memref_slice %arg6[%add3A_245, %dma_wait3A_305] : memref<16384x128xf32, #tpu.memory_space<hbm>> -> memref<128x128xf32, #tpu.memory_space<hbm>>
    %dma_wait3A_307 = arith.constant 0 : i32
    %dma_wait3A_308 = tpu.memref_slice %arg6[%add3A_245, %dma_wait3A_307] : memref<16384x128xf32, #tpu.memory_space<hbm>> -> memref<128x128xf32, #tpu.memory_space<hbm>>
    %dma_wait3A_309 = arith.constant 0 : i32
    %dma_wait3A_310 = arith.constant 0 : i32
    %dma_wait3A_311 = tpu.memref_slice %arg10[%dma_wait3A_300, %dma_wait3A_309, %dma_wait3A_310] : memref<7x128x128xf32, #tpu.memory_space<vmem>> -> memref<1x128x128xf32, #tpu.memory_space<vmem>>
    %dma_wait3A_312 = tpu.memref_squeeze %dma_wait3A_311 : memref<1x128x128xf32, #tpu.memory_space<vmem>> -> memref<128x128xf32, #tpu.memory_space<vmem>>
    tpu.wait_dma2 semaphore(%arg21 : memref<!tpu.dma_semaphore, #tpu.memory_space<semaphore_mem>>) src(%dma_wait3A_312 : memref<128x128xf32, #tpu.memory_space<vmem>>) dst(%dma_wait3A_308 : memref<128x128xf32, #tpu.memory_space<hbm>>)
    %dma_start3A_313 = arith.constant 3 : i32
    %dma_start3A_314 = arith.constant 0 : i32
    %dma_start3A_315 = arith.constant 0 : i32
    %dma_start3A_316 = arith.constant 0 : i32
    %dma_start3A_317 = tpu.memref_slice %arg10[%dma_start3A_314, %dma_start3A_315, %dma_start3A_316] : memref<7x128x128xf32, #tpu.memory_space<vmem>> -> memref<1x128x128xf32, #tpu.memory_space<vmem>>
    %dma_start3A_318 = tpu.memref_squeeze %dma_start3A_317 : memref<1x128x128xf32, #tpu.memory_space<vmem>> -> memref<128x128xf32, #tpu.memory_space<vmem>>
    %dma_start3A_319 = arith.constant 0 : i32
    %dma_start3A_320 = tpu.memref_slice %arg9[%dma_start3A_313, %dma_start3A_319] : memref<4x128xi32, #tpu.memory_space<vmem>> -> memref<1x128xi32, #tpu.memory_space<vmem>>
    %dma_start3A_321 = tpu.memref_squeeze %dma_start3A_320 : memref<1x128xi32, #tpu.memory_space<vmem>> -> memref<128xi32, #tpu.memory_space<vmem>>
    %dma_start3A_322 = arith.constant 0 : i32
    %dma_start3A_323 = arith.constant 0 : i32
    %dma_start3A_324 = tpu.memref_slice %arg5[%dma_start3A_322, %dma_start3A_323] : memref<100000x128xf32, #tpu.memory_space<hbm>> -> memref<100000x128xf32, #tpu.memory_space<hbm>>
    tpu.enqueue_indirect_dma source(%dma_start3A_324 : memref<100000x128xf32, #tpu.memory_space<hbm>>) target(%dma_start3A_318 : memref<128x128xf32, #tpu.memory_space<vmem>>) offsets(%dma_start3A_321 : memref<128xi32, #tpu.memory_space<vmem>>) semaphore(%arg14 : memref<!tpu.dma_semaphore, #tpu.memory_space<semaphore_mem>>)
    %dma_wait3A_325 = arith.constant 1 : i32
    %dma_wait3A_326 = arith.constant 2 : i32
    %dma_wait3A_327 = arith.constant 0 : i32
    %dma_wait3A_328 = arith.constant 0 : i32
    %dma_wait3A_329 = tpu.memref_slice %arg10[%dma_wait3A_326, %dma_wait3A_327, %dma_wait3A_328] : memref<7x128x128xf32, #tpu.memory_space<vmem>> -> memref<1x128x128xf32, #tpu.memory_space<vmem>>
    %dma_wait3A_330 = tpu.memref_squeeze %dma_wait3A_329 : memref<1x128x128xf32, #tpu.memory_space<vmem>> -> memref<128x128xf32, #tpu.memory_space<vmem>>
    %dma_wait3A_331 = arith.constant 0 : i32
    %dma_wait3A_332 = tpu.memref_slice %arg8[%dma_wait3A_325, %dma_wait3A_331] : memref<4x128xi32, #tpu.memory_space<vmem>> -> memref<1x128xi32, #tpu.memory_space<vmem>>
    %dma_wait3A_333 = tpu.memref_squeeze %dma_wait3A_332 : memref<1x128xi32, #tpu.memory_space<vmem>> -> memref<128xi32, #tpu.memory_space<vmem>>
    %dma_wait3A_334 = arith.constant 0 : i32
    %dma_wait3A_335 = arith.constant 0 : i32
    %dma_wait3A_336 = tpu.memref_slice %arg4[%dma_wait3A_334, %dma_wait3A_335] : memref<100000x128xf32, #tpu.memory_space<hbm>> -> memref<100000x128xf32, #tpu.memory_space<hbm>>
    tpu.wait_indirect_dma semaphore(%arg16 : memref<!tpu.dma_semaphore, #tpu.memory_space<semaphore_mem>>) src(%dma_wait3A_336 : memref<100000x128xf32, #tpu.memory_space<hbm>>) dst(%dma_wait3A_330 : memref<128x128xf32, #tpu.memory_space<vmem>>)
    %sub3A_337 = arith.constant 0 : i32
    %sub3A_338 = arith.subi %add3A_4, %sub3A_337 : i32
    %add3A_339 = arith.constant 128 : i32
    %add3A_340 = arith.addi %sub3A_338, %add3A_339 : i32
    %dma_start3A_341 = arith.constant 2 : i32
    %dma_start3A_342 = arith.constant 0 : i32
    %dma_start3A_343 = arith.constant 0 : i32
    %dma_start3A_344 = tpu.memref_slice %arg10[%dma_start3A_341, %dma_start3A_342, %dma_start3A_343] : memref<7x128x128xf32, #tpu.memory_space<vmem>> -> memref<1x128x128xf32, #tpu.memory_space<vmem>>
    %dma_start3A_345 = tpu.memref_squeeze %dma_start3A_344 : memref<1x128x128xf32, #tpu.memory_space<vmem>> -> memref<128x128xf32, #tpu.memory_space<vmem>>
    %dma_start3A_346 = arith.constant 0 : i32
    %dma_start3A_347 = tpu.memref_slice %arg6[%add3A_340, %dma_start3A_346] : memref<16384x128xf32, #tpu.memory_space<hbm>> -> memref<128x128xf32, #tpu.memory_space<hbm>>
    %dma_start3A_348 = arith.constant 0 : i32
    %dma_start3A_349 = tpu.memref_slice %arg6[%add3A_340, %dma_start3A_348] : memref<16384x128xf32, #tpu.memory_space<hbm>> -> memref<128x128xf32, #tpu.memory_space<hbm>>
    %dma_start3A_350 = arith.constant 0 : i32
    %dma_start3A_351 = arith.constant 0 : i32
    %dma_start3A_352 = tpu.memref_slice %arg10[%dma_start3A_341, %dma_start3A_350, %dma_start3A_351] : memref<7x128x128xf32, #tpu.memory_space<vmem>> -> memref<1x128x128xf32, #tpu.memory_space<vmem>>
    %dma_start3A_353 = tpu.memref_squeeze %dma_start3A_352 : memref<1x128x128xf32, #tpu.memory_space<vmem>> -> memref<128x128xf32, #tpu.memory_space<vmem>>
    tpu.enqueue_dma source(%dma_start3A_353 : memref<128x128xf32, #tpu.memory_space<vmem>>) target(%dma_start3A_349 : memref<128x128xf32, #tpu.memory_space<hbm>>) target_semaphore(%arg23 : memref<!tpu.dma_semaphore, #tpu.memory_space<semaphore_mem>>)
    %dma_wait3A_354 = arith.constant 1 : i32
    %dma_wait3A_355 = arith.constant 3 : i32
    %dma_wait3A_356 = arith.constant 0 : i32
    %dma_wait3A_357 = arith.constant 0 : i32
    %dma_wait3A_358 = tpu.memref_slice %arg10[%dma_wait3A_355, %dma_wait3A_356, %dma_wait3A_357] : memref<7x128x128xf32, #tpu.memory_space<vmem>> -> memref<1x128x128xf32, #tpu.memory_space<vmem>>
    %dma_wait3A_359 = tpu.memref_squeeze %dma_wait3A_358 : memref<1x128x128xf32, #tpu.memory_space<vmem>> -> memref<128x128xf32, #tpu.memory_space<vmem>>
    %dma_wait3A_360 = arith.constant 0 : i32
    %dma_wait3A_361 = tpu.memref_slice %arg9[%dma_wait3A_354, %dma_wait3A_360] : memref<4x128xi32, #tpu.memory_space<vmem>> -> memref<1x128xi32, #tpu.memory_space<vmem>>
    %dma_wait3A_362 = tpu.memref_squeeze %dma_wait3A_361 : memref<1x128xi32, #tpu.memory_space<vmem>> -> memref<128xi32, #tpu.memory_space<vmem>>
    %dma_wait3A_363 = arith.constant 0 : i32
    %dma_wait3A_364 = arith.constant 0 : i32
    %dma_wait3A_365 = tpu.memref_slice %arg5[%dma_wait3A_363, %dma_wait3A_364] : memref<100000x128xf32, #tpu.memory_space<hbm>> -> memref<100000x128xf32, #tpu.memory_space<hbm>>
    tpu.wait_indirect_dma semaphore(%arg17 : memref<!tpu.dma_semaphore, #tpu.memory_space<semaphore_mem>>) src(%dma_wait3A_365 : memref<100000x128xf32, #tpu.memory_space<hbm>>) dst(%dma_wait3A_359 : memref<128x128xf32, #tpu.memory_space<vmem>>)
    %sub3A_366 = arith.constant 0 : i32
    %sub3A_367 = arith.subi %add3A_4, %sub3A_366 : i32
    %add3A_368 = arith.constant 128 : i32
    %add3A_369 = arith.addi %sub3A_367, %add3A_368 : i32
    %dma_start3A_370 = arith.constant 3 : i32
    %dma_start3A_371 = arith.constant 0 : i32
    %dma_start3A_372 = arith.constant 0 : i32
    %dma_start3A_373 = tpu.memref_slice %arg10[%dma_start3A_370, %dma_start3A_371, %dma_start3A_372] : memref<7x128x128xf32, #tpu.memory_space<vmem>> -> memref<1x128x128xf32, #tpu.memory_space<vmem>>
    %dma_start3A_374 = tpu.memref_squeeze %dma_start3A_373 : memref<1x128x128xf32, #tpu.memory_space<vmem>> -> memref<128x128xf32, #tpu.memory_space<vmem>>
    %dma_start3A_375 = arith.constant 0 : i32
    %dma_start3A_376 = tpu.memref_slice %arg7[%add3A_369, %dma_start3A_375] : memref<16384x128xf32, #tpu.memory_space<hbm>> -> memref<128x128xf32, #tpu.memory_space<hbm>>
    %dma_start3A_377 = arith.constant 0 : i32
    %dma_start3A_378 = tpu.memref_slice %arg7[%add3A_369, %dma_start3A_377] : memref<16384x128xf32, #tpu.memory_space<hbm>> -> memref<128x128xf32, #tpu.memory_space<hbm>>
    %dma_start3A_379 = arith.constant 0 : i32
    %dma_start3A_380 = arith.constant 0 : i32
    %dma_start3A_381 = tpu.memref_slice %arg10[%dma_start3A_370, %dma_start3A_379, %dma_start3A_380] : memref<7x128x128xf32, #tpu.memory_space<vmem>> -> memref<1x128x128xf32, #tpu.memory_space<vmem>>
    %dma_start3A_382 = tpu.memref_squeeze %dma_start3A_381 : memref<1x128x128xf32, #tpu.memory_space<vmem>> -> memref<128x128xf32, #tpu.memory_space<vmem>>
    tpu.enqueue_dma source(%dma_start3A_382 : memref<128x128xf32, #tpu.memory_space<vmem>>) target(%dma_start3A_378 : memref<128x128xf32, #tpu.memory_space<hbm>>) target_semaphore(%arg24 : memref<!tpu.dma_semaphore, #tpu.memory_space<semaphore_mem>>)
    %dma_wait3A_383 = arith.constant 2 : i32
    %dma_wait3A_384 = arith.constant 4 : i32
    %dma_wait3A_385 = arith.constant 0 : i32
    %dma_wait3A_386 = arith.constant 0 : i32
    %dma_wait3A_387 = tpu.memref_slice %arg10[%dma_wait3A_384, %dma_wait3A_385, %dma_wait3A_386] : memref<7x128x128xf32, #tpu.memory_space<vmem>> -> memref<1x128x128xf32, #tpu.memory_space<vmem>>
    %dma_wait3A_388 = tpu.memref_squeeze %dma_wait3A_387 : memref<1x128x128xf32, #tpu.memory_space<vmem>> -> memref<128x128xf32, #tpu.memory_space<vmem>>
    %dma_wait3A_389 = arith.constant 0 : i32
    %dma_wait3A_390 = tpu.memref_slice %arg8[%dma_wait3A_383, %dma_wait3A_389] : memref<4x128xi32, #tpu.memory_space<vmem>> -> memref<1x128xi32, #tpu.memory_space<vmem>>
    %dma_wait3A_391 = tpu.memref_squeeze %dma_wait3A_390 : memref<1x128xi32, #tpu.memory_space<vmem>> -> memref<128xi32, #tpu.memory_space<vmem>>
    %dma_wait3A_392 = arith.constant 0 : i32
    %dma_wait3A_393 = arith.constant 0 : i32
    %dma_wait3A_394 = tpu.memref_slice %arg4[%dma_wait3A_392, %dma_wait3A_393] : memref<100000x128xf32, #tpu.memory_space<hbm>> -> memref<100000x128xf32, #tpu.memory_space<hbm>>
    tpu.wait_indirect_dma semaphore(%arg18 : memref<!tpu.dma_semaphore, #tpu.memory_space<semaphore_mem>>) src(%dma_wait3A_394 : memref<100000x128xf32, #tpu.memory_space<hbm>>) dst(%dma_wait3A_388 : memref<128x128xf32, #tpu.memory_space<vmem>>)
    %sub3A_395 = arith.constant 0 : i32
    %sub3A_396 = arith.subi %add3A_4, %sub3A_395 : i32
    %add3A_397 = arith.constant 256 : i32
    %add3A_398 = arith.addi %sub3A_396, %add3A_397 : i32
    %dma_start3A_399 = arith.constant 4 : i32
    %dma_start3A_400 = arith.constant 0 : i32
    %dma_start3A_401 = arith.constant 0 : i32
    %dma_start3A_402 = tpu.memref_slice %arg10[%dma_start3A_399, %dma_start3A_400, %dma_start3A_401] : memref<7x128x128xf32, #tpu.memory_space<vmem>> -> memref<1x128x128xf32, #tpu.memory_space<vmem>>
    %dma_start3A_403 = tpu.memref_squeeze %dma_start3A_402 : memref<1x128x128xf32, #tpu.memory_space<vmem>> -> memref<128x128xf32, #tpu.memory_space<vmem>>
    %dma_start3A_404 = arith.constant 0 : i32
    %dma_start3A_405 = tpu.memref_slice %arg6[%add3A_398, %dma_start3A_404] : memref<16384x128xf32, #tpu.memory_space<hbm>> -> memref<128x128xf32, #tpu.memory_space<hbm>>
    %dma_start3A_406 = arith.constant 0 : i32
    %dma_start3A_407 = tpu.memref_slice %arg6[%add3A_398, %dma_start3A_406] : memref<16384x128xf32, #tpu.memory_space<hbm>> -> memref<128x128xf32, #tpu.memory_space<hbm>>
    %dma_start3A_408 = arith.constant 0 : i32
    %dma_start3A_409 = arith.constant 0 : i32
    %dma_start3A_410 = tpu.memref_slice %arg10[%dma_start3A_399, %dma_start3A_408, %dma_start3A_409] : memref<7x128x128xf32, #tpu.memory_space<vmem>> -> memref<1x128x128xf32, #tpu.memory_space<vmem>>
    %dma_start3A_411 = tpu.memref_squeeze %dma_start3A_410 : memref<1x128x128xf32, #tpu.memory_space<vmem>> -> memref<128x128xf32, #tpu.memory_space<vmem>>
    tpu.enqueue_dma source(%dma_start3A_411 : memref<128x128xf32, #tpu.memory_space<vmem>>) target(%dma_start3A_407 : memref<128x128xf32, #tpu.memory_space<hbm>>) target_semaphore(%arg25 : memref<!tpu.dma_semaphore, #tpu.memory_space<semaphore_mem>>)
    %dma_wait3A_412 = arith.constant 2 : i32
    %dma_wait3A_413 = arith.constant 5 : i32
    %dma_wait3A_414 = arith.constant 0 : i32
    %dma_wait3A_415 = arith.constant 0 : i32
    %dma_wait3A_416 = tpu.memref_slice %arg10[%dma_wait3A_413, %dma_wait3A_414, %dma_wait3A_415] : memref<7x128x128xf32, #tpu.memory_space<vmem>> -> memref<1x128x128xf32, #tpu.memory_space<vmem>>
    %dma_wait3A_417 = tpu.memref_squeeze %dma_wait3A_416 : memref<1x128x128xf32, #tpu.memory_space<vmem>> -> memref<128x128xf32, #tpu.memory_space<vmem>>
    %dma_wait3A_418 = arith.constant 0 : i32
    %dma_wait3A_419 = tpu.memref_slice %arg9[%dma_wait3A_412, %dma_wait3A_418] : memref<4x128xi32, #tpu.memory_space<vmem>> -> memref<1x128xi32, #tpu.memory_space<vmem>>
    %dma_wait3A_420 = tpu.memref_squeeze %dma_wait3A_419 : memref<1x128xi32, #tpu.memory_space<vmem>> -> memref<128xi32, #tpu.memory_space<vmem>>
    %dma_wait3A_421 = arith.constant 0 : i32
    %dma_wait3A_422 = arith.constant 0 : i32
    %dma_wait3A_423 = tpu.memref_slice %arg5[%dma_wait3A_421, %dma_wait3A_422] : memref<100000x128xf32, #tpu.memory_space<hbm>> -> memref<100000x128xf32, #tpu.memory_space<hbm>>
    tpu.wait_indirect_dma semaphore(%arg19 : memref<!tpu.dma_semaphore, #tpu.memory_space<semaphore_mem>>) src(%dma_wait3A_423 : memref<100000x128xf32, #tpu.memory_space<hbm>>) dst(%dma_wait3A_417 : memref<128x128xf32, #tpu.memory_space<vmem>>)
    %sub3A_424 = arith.constant 0 : i32
    %sub3A_425 = arith.subi %add3A_4, %sub3A_424 : i32
    %add3A_426 = arith.constant 256 : i32
    %add3A_427 = arith.addi %sub3A_425, %add3A_426 : i32
    %dma_start3A_428 = arith.constant 5 : i32
    %dma_start3A_429 = arith.constant 0 : i32
    %dma_start3A_430 = arith.constant 0 : i32
    %dma_start3A_431 = tpu.memref_slice %arg10[%dma_start3A_428, %dma_start3A_429, %dma_start3A_430] : memref<7x128x128xf32, #tpu.memory_space<vmem>> -> memref<1x128x128xf32, #tpu.memory_space<vmem>>
    %dma_start3A_432 = tpu.memref_squeeze %dma_start3A_431 : memref<1x128x128xf32, #tpu.memory_space<vmem>> -> memref<128x128xf32, #tpu.memory_space<vmem>>
    %dma_start3A_433 = arith.constant 0 : i32
    %dma_start3A_434 = tpu.memref_slice %arg7[%add3A_427, %dma_start3A_433] : memref<16384x128xf32, #tpu.memory_space<hbm>> -> memref<128x128xf32, #tpu.memory_space<hbm>>
    %dma_start3A_435 = arith.constant 0 : i32
    %dma_start3A_436 = tpu.memref_slice %arg7[%add3A_427, %dma_start3A_435] : memref<16384x128xf32, #tpu.memory_space<hbm>> -> memref<128x128xf32, #tpu.memory_space<hbm>>
    %dma_start3A_437 = arith.constant 0 : i32
    %dma_start3A_438 = arith.constant 0 : i32
    %dma_start3A_439 = tpu.memref_slice %arg10[%dma_start3A_428, %dma_start3A_437, %dma_start3A_438] : memref<7x128x128xf32, #tpu.memory_space<vmem>> -> memref<1x128x128xf32, #tpu.memory_space<vmem>>
    %dma_start3A_440 = tpu.memref_squeeze %dma_start3A_439 : memref<1x128x128xf32, #tpu.memory_space<vmem>> -> memref<128x128xf32, #tpu.memory_space<vmem>>
    tpu.enqueue_dma source(%dma_start3A_440 : memref<128x128xf32, #tpu.memory_space<vmem>>) target(%dma_start3A_436 : memref<128x128xf32, #tpu.memory_space<hbm>>) target_semaphore(%arg26 : memref<!tpu.dma_semaphore, #tpu.memory_space<semaphore_mem>>)
    %dma_wait3A_441 = arith.constant 3 : i32
    %dma_wait3A_442 = arith.constant 6 : i32
    %dma_wait3A_443 = arith.constant 0 : i32
    %dma_wait3A_444 = arith.constant 0 : i32
    %dma_wait3A_445 = tpu.memref_slice %arg10[%dma_wait3A_442, %dma_wait3A_443, %dma_wait3A_444] : memref<7x128x128xf32, #tpu.memory_space<vmem>> -> memref<1x128x128xf32, #tpu.memory_space<vmem>>
    %dma_wait3A_446 = tpu.memref_squeeze %dma_wait3A_445 : memref<1x128x128xf32, #tpu.memory_space<vmem>> -> memref<128x128xf32, #tpu.memory_space<vmem>>
    %dma_wait3A_447 = arith.constant 0 : i32
    %dma_wait3A_448 = tpu.memref_slice %arg8[%dma_wait3A_441, %dma_wait3A_447] : memref<4x128xi32, #tpu.memory_space<vmem>> -> memref<1x128xi32, #tpu.memory_space<vmem>>
    %dma_wait3A_449 = tpu.memref_squeeze %dma_wait3A_448 : memref<1x128xi32, #tpu.memory_space<vmem>> -> memref<128xi32, #tpu.memory_space<vmem>>
    %dma_wait3A_450 = arith.constant 0 : i32
    %dma_wait3A_451 = arith.constant 0 : i32
    %dma_wait3A_452 = tpu.memref_slice %arg4[%dma_wait3A_450, %dma_wait3A_451] : memref<100000x128xf32, #tpu.memory_space<hbm>> -> memref<100000x128xf32, #tpu.memory_space<hbm>>
    tpu.wait_indirect_dma semaphore(%arg20 : memref<!tpu.dma_semaphore, #tpu.memory_space<semaphore_mem>>) src(%dma_wait3A_452 : memref<100000x128xf32, #tpu.memory_space<hbm>>) dst(%dma_wait3A_446 : memref<128x128xf32, #tpu.memory_space<vmem>>)
    %sub3A_453 = arith.constant 0 : i32
    %sub3A_454 = arith.subi %add3A_4, %sub3A_453 : i32
    %add3A_455 = arith.constant 384 : i32
    %add3A_456 = arith.addi %sub3A_454, %add3A_455 : i32
    %dma_start3A_457 = arith.constant 6 : i32
    %dma_start3A_458 = arith.constant 0 : i32
    %dma_start3A_459 = arith.constant 0 : i32
    %dma_start3A_460 = tpu.memref_slice %arg10[%dma_start3A_457, %dma_start3A_458, %dma_start3A_459] : memref<7x128x128xf32, #tpu.memory_space<vmem>> -> memref<1x128x128xf32, #tpu.memory_space<vmem>>
    %dma_start3A_461 = tpu.memref_squeeze %dma_start3A_460 : memref<1x128x128xf32, #tpu.memory_space<vmem>> -> memref<128x128xf32, #tpu.memory_space<vmem>>
    %dma_start3A_462 = arith.constant 0 : i32
    %dma_start3A_463 = tpu.memref_slice %arg6[%add3A_456, %dma_start3A_462] : memref<16384x128xf32, #tpu.memory_space<hbm>> -> memref<128x128xf32, #tpu.memory_space<hbm>>
    %dma_start3A_464 = arith.constant 0 : i32
    %dma_start3A_465 = tpu.memref_slice %arg6[%add3A_456, %dma_start3A_464] : memref<16384x128xf32, #tpu.memory_space<hbm>> -> memref<128x128xf32, #tpu.memory_space<hbm>>
    %dma_start3A_466 = arith.constant 0 : i32
    %dma_start3A_467 = arith.constant 0 : i32
    %dma_start3A_468 = tpu.memref_slice %arg10[%dma_start3A_457, %dma_start3A_466, %dma_start3A_467] : memref<7x128x128xf32, #tpu.memory_space<vmem>> -> memref<1x128x128xf32, #tpu.memory_space<vmem>>
    %dma_start3A_469 = tpu.memref_squeeze %dma_start3A_468 : memref<1x128x128xf32, #tpu.memory_space<vmem>> -> memref<128x128xf32, #tpu.memory_space<vmem>>
    tpu.enqueue_dma source(%dma_start3A_469 : memref<128x128xf32, #tpu.memory_space<vmem>>) target(%dma_start3A_465 : memref<128x128xf32, #tpu.memory_space<hbm>>) target_semaphore(%arg27 : memref<!tpu.dma_semaphore, #tpu.memory_space<semaphore_mem>>)
    %dma_wait3A_470 = arith.constant 3 : i32
    %dma_wait3A_471 = arith.constant 0 : i32
    %dma_wait3A_472 = arith.constant 0 : i32
    %dma_wait3A_473 = arith.constant 0 : i32
    %dma_wait3A_474 = tpu.memref_slice %arg10[%dma_wait3A_471, %dma_wait3A_472, %dma_wait3A_473] : memref<7x128x128xf32, #tpu.memory_space<vmem>> -> memref<1x128x128xf32, #tpu.memory_space<vmem>>
    %dma_wait3A_475 = tpu.memref_squeeze %dma_wait3A_474 : memref<1x128x128xf32, #tpu.memory_space<vmem>> -> memref<128x128xf32, #tpu.memory_space<vmem>>
    %dma_wait3A_476 = arith.constant 0 : i32
    %dma_wait3A_477 = tpu.memref_slice %arg9[%dma_wait3A_470, %dma_wait3A_476] : memref<4x128xi32, #tpu.memory_space<vmem>> -> memref<1x128xi32, #tpu.memory_space<vmem>>
    %dma_wait3A_478 = tpu.memref_squeeze %dma_wait3A_477 : memref<1x128xi32, #tpu.memory_space<vmem>> -> memref<128xi32, #tpu.memory_space<vmem>>
    %dma_wait3A_479 = arith.constant 0 : i32
    %dma_wait3A_480 = arith.constant 0 : i32
    %dma_wait3A_481 = tpu.memref_slice %arg5[%dma_wait3A_479, %dma_wait3A_480] : memref<100000x128xf32, #tpu.memory_space<hbm>> -> memref<100000x128xf32, #tpu.memory_space<hbm>>
    tpu.wait_indirect_dma semaphore(%arg14 : memref<!tpu.dma_semaphore, #tpu.memory_space<semaphore_mem>>) src(%dma_wait3A_481 : memref<100000x128xf32, #tpu.memory_space<hbm>>) dst(%dma_wait3A_475 : memref<128x128xf32, #tpu.memory_space<vmem>>)
    %sub3A_482 = arith.constant 0 : i32
    %sub3A_483 = arith.subi %add3A_4, %sub3A_482 : i32
    %add3A_484 = arith.constant 384 : i32
    %add3A_485 = arith.addi %sub3A_483, %add3A_484 : i32
    %dma_start3A_486 = arith.constant 0 : i32
    %dma_start3A_487 = arith.constant 0 : i32
    %dma_start3A_488 = arith.constant 0 : i32
    %dma_start3A_489 = tpu.memref_slice %arg10[%dma_start3A_486, %dma_start3A_487, %dma_start3A_488] : memref<7x128x128xf32, #tpu.memory_space<vmem>> -> memref<1x128x128xf32, #tpu.memory_space<vmem>>
    %dma_start3A_490 = tpu.memref_squeeze %dma_start3A_489 : memref<1x128x128xf32, #tpu.memory_space<vmem>> -> memref<128x128xf32, #tpu.memory_space<vmem>>
    %dma_start3A_491 = arith.constant 0 : i32
    %dma_start3A_492 = tpu.memref_slice %arg7[%add3A_485, %dma_start3A_491] : memref<16384x128xf32, #tpu.memory_space<hbm>> -> memref<128x128xf32, #tpu.memory_space<hbm>>
    %dma_start3A_493 = arith.constant 0 : i32
    %dma_start3A_494 = tpu.memref_slice %arg7[%add3A_485, %dma_start3A_493] : memref<16384x128xf32, #tpu.memory_space<hbm>> -> memref<128x128xf32, #tpu.memory_space<hbm>>
    %dma_start3A_495 = arith.constant 0 : i32
    %dma_start3A_496 = arith.constant 0 : i32
    %dma_start3A_497 = tpu.memref_slice %arg10[%dma_start3A_486, %dma_start3A_495, %dma_start3A_496] : memref<7x128x128xf32, #tpu.memory_space<vmem>> -> memref<1x128x128xf32, #tpu.memory_space<vmem>>
    %dma_start3A_498 = tpu.memref_squeeze %dma_start3A_497 : memref<1x128x128xf32, #tpu.memory_space<vmem>> -> memref<128x128xf32, #tpu.memory_space<vmem>>
    tpu.enqueue_dma source(%dma_start3A_498 : memref<128x128xf32, #tpu.memory_space<vmem>>) target(%dma_start3A_494 : memref<128x128xf32, #tpu.memory_space<hbm>>) target_semaphore(%arg21 : memref<!tpu.dma_semaphore, #tpu.memory_space<semaphore_mem>>)
    %dma_wait3A_499 = arith.constant 0 : i32
    %dma_wait3A_500 = arith.constant 0 : i32
    %dma_wait3A_501 = arith.constant 0 : i32
    %dma_wait3A_502 = tpu.memref_slice %arg10[%dma_wait3A_499, %dma_wait3A_500, %dma_wait3A_501] : memref<7x128x128xf32, #tpu.memory_space<vmem>> -> memref<1x128x128xf32, #tpu.memory_space<vmem>>
    %dma_wait3A_503 = tpu.memref_squeeze %dma_wait3A_502 : memref<1x128x128xf32, #tpu.memory_space<vmem>> -> memref<128x128xf32, #tpu.memory_space<vmem>>
    %dma_wait3A_504 = arith.constant 0 : i32
    %dma_wait3A_505 = tpu.memref_slice %arg7[%add3A_485, %dma_wait3A_504] : memref<16384x128xf32, #tpu.memory_space<hbm>> -> memref<128x128xf32, #tpu.memory_space<hbm>>
    %dma_wait3A_506 = arith.constant 0 : i32
    %dma_wait3A_507 = tpu.memref_slice %arg7[%add3A_485, %dma_wait3A_506] : memref<16384x128xf32, #tpu.memory_space<hbm>> -> memref<128x128xf32, #tpu.memory_space<hbm>>
    %dma_wait3A_508 = arith.constant 0 : i32
    %dma_wait3A_509 = arith.constant 0 : i32
    %dma_wait3A_510 = tpu.memref_slice %arg10[%dma_wait3A_499, %dma_wait3A_508, %dma_wait3A_509] : memref<7x128x128xf32, #tpu.memory_space<vmem>> -> memref<1x128x128xf32, #tpu.memory_space<vmem>>
    %dma_wait3A_511 = tpu.memref_squeeze %dma_wait3A_510 : memref<1x128x128xf32, #tpu.memory_space<vmem>> -> memref<128x128xf32, #tpu.memory_space<vmem>>
    tpu.wait_dma2 semaphore(%arg21 : memref<!tpu.dma_semaphore, #tpu.memory_space<semaphore_mem>>) src(%dma_wait3A_511 : memref<128x128xf32, #tpu.memory_space<vmem>>) dst(%dma_wait3A_507 : memref<128x128xf32, #tpu.memory_space<hbm>>)
    %dma_wait3A_512 = arith.constant 1 : i32
    %dma_wait3A_513 = arith.constant 0 : i32
    %dma_wait3A_514 = arith.constant 0 : i32
    %dma_wait3A_515 = tpu.memref_slice %arg10[%dma_wait3A_512, %dma_wait3A_513, %dma_wait3A_514] : memref<7x128x128xf32, #tpu.memory_space<vmem>> -> memref<1x128x128xf32, #tpu.memory_space<vmem>>
    %dma_wait3A_516 = tpu.memref_squeeze %dma_wait3A_515 : memref<1x128x128xf32, #tpu.memory_space<vmem>> -> memref<128x128xf32, #tpu.memory_space<vmem>>
    %dma_wait3A_517 = arith.constant 0 : i32
    %dma_wait3A_518 = tpu.memref_slice %arg7[%add3A_286, %dma_wait3A_517] : memref<16384x128xf32, #tpu.memory_space<hbm>> -> memref<128x128xf32, #tpu.memory_space<hbm>>
    %dma_wait3A_519 = arith.constant 0 : i32
    %dma_wait3A_520 = tpu.memref_slice %arg7[%add3A_286, %dma_wait3A_519] : memref<16384x128xf32, #tpu.memory_space<hbm>> -> memref<128x128xf32, #tpu.memory_space<hbm>>
    %dma_wait3A_521 = arith.constant 0 : i32
    %dma_wait3A_522 = arith.constant 0 : i32
    %dma_wait3A_523 = tpu.memref_slice %arg10[%dma_wait3A_512, %dma_wait3A_521, %dma_wait3A_522] : memref<7x128x128xf32, #tpu.memory_space<vmem>> -> memref<1x128x128xf32, #tpu.memory_space<vmem>>
    %dma_wait3A_524 = tpu.memref_squeeze %dma_wait3A_523 : memref<1x128x128xf32, #tpu.memory_space<vmem>> -> memref<128x128xf32, #tpu.memory_space<vmem>>
    tpu.wait_dma2 semaphore(%arg22 : memref<!tpu.dma_semaphore, #tpu.memory_space<semaphore_mem>>) src(%dma_wait3A_524 : memref<128x128xf32, #tpu.memory_space<vmem>>) dst(%dma_wait3A_520 : memref<128x128xf32, #tpu.memory_space<hbm>>)
    %dma_wait3A_525 = arith.constant 2 : i32
    %dma_wait3A_526 = arith.constant 0 : i32
    %dma_wait3A_527 = arith.constant 0 : i32
    %dma_wait3A_528 = tpu.memref_slice %arg10[%dma_wait3A_525, %dma_wait3A_526, %dma_wait3A_527] : memref<7x128x128xf32, #tpu.memory_space<vmem>> -> memref<1x128x128xf32, #tpu.memory_space<vmem>>
    %dma_wait3A_529 = tpu.memref_squeeze %dma_wait3A_528 : memref<1x128x128xf32, #tpu.memory_space<vmem>> -> memref<128x128xf32, #tpu.memory_space<vmem>>
    %dma_wait3A_530 = arith.constant 0 : i32
    %dma_wait3A_531 = tpu.memref_slice %arg6[%add3A_340, %dma_wait3A_530] : memref<16384x128xf32, #tpu.memory_space<hbm>> -> memref<128x128xf32, #tpu.memory_space<hbm>>
    %dma_wait3A_532 = arith.constant 0 : i32
    %dma_wait3A_533 = tpu.memref_slice %arg6[%add3A_340, %dma_wait3A_532] : memref<16384x128xf32, #tpu.memory_space<hbm>> -> memref<128x128xf32, #tpu.memory_space<hbm>>
    %dma_wait3A_534 = arith.constant 0 : i32
    %dma_wait3A_535 = arith.constant 0 : i32
    %dma_wait3A_536 = tpu.memref_slice %arg10[%dma_wait3A_525, %dma_wait3A_534, %dma_wait3A_535] : memref<7x128x128xf32, #tpu.memory_space<vmem>> -> memref<1x128x128xf32, #tpu.memory_space<vmem>>
    %dma_wait3A_537 = tpu.memref_squeeze %dma_wait3A_536 : memref<1x128x128xf32, #tpu.memory_space<vmem>> -> memref<128x128xf32, #tpu.memory_space<vmem>>
    tpu.wait_dma2 semaphore(%arg23 : memref<!tpu.dma_semaphore, #tpu.memory_space<semaphore_mem>>) src(%dma_wait3A_537 : memref<128x128xf32, #tpu.memory_space<vmem>>) dst(%dma_wait3A_533 : memref<128x128xf32, #tpu.memory_space<hbm>>)
    %dma_wait3A_538 = arith.constant 3 : i32
    %dma_wait3A_539 = arith.constant 0 : i32
    %dma_wait3A_540 = arith.constant 0 : i32
    %dma_wait3A_541 = tpu.memref_slice %arg10[%dma_wait3A_538, %dma_wait3A_539, %dma_wait3A_540] : memref<7x128x128xf32, #tpu.memory_space<vmem>> -> memref<1x128x128xf32, #tpu.memory_space<vmem>>
    %dma_wait3A_542 = tpu.memref_squeeze %dma_wait3A_541 : memref<1x128x128xf32, #tpu.memory_space<vmem>> -> memref<128x128xf32, #tpu.memory_space<vmem>>
    %dma_wait3A_543 = arith.constant 0 : i32
    %dma_wait3A_544 = tpu.memref_slice %arg7[%add3A_369, %dma_wait3A_543] : memref<16384x128xf32, #tpu.memory_space<hbm>> -> memref<128x128xf32, #tpu.memory_space<hbm>>
    %dma_wait3A_545 = arith.constant 0 : i32
    %dma_wait3A_546 = tpu.memref_slice %arg7[%add3A_369, %dma_wait3A_545] : memref<16384x128xf32, #tpu.memory_space<hbm>> -> memref<128x128xf32, #tpu.memory_space<hbm>>
    %dma_wait3A_547 = arith.constant 0 : i32
    %dma_wait3A_548 = arith.constant 0 : i32
    %dma_wait3A_549 = tpu.memref_slice %arg10[%dma_wait3A_538, %dma_wait3A_547, %dma_wait3A_548] : memref<7x128x128xf32, #tpu.memory_space<vmem>> -> memref<1x128x128xf32, #tpu.memory_space<vmem>>
    %dma_wait3A_550 = tpu.memref_squeeze %dma_wait3A_549 : memref<1x128x128xf32, #tpu.memory_space<vmem>> -> memref<128x128xf32, #tpu.memory_space<vmem>>
    tpu.wait_dma2 semaphore(%arg24 : memref<!tpu.dma_semaphore, #tpu.memory_space<semaphore_mem>>) src(%dma_wait3A_550 : memref<128x128xf32, #tpu.memory_space<vmem>>) dst(%dma_wait3A_546 : memref<128x128xf32, #tpu.memory_space<hbm>>)
    %dma_wait3A_551 = arith.constant 4 : i32
    %dma_wait3A_552 = arith.constant 0 : i32
    %dma_wait3A_553 = arith.constant 0 : i32
    %dma_wait3A_554 = tpu.memref_slice %arg10[%dma_wait3A_551, %dma_wait3A_552, %dma_wait3A_553] : memref<7x128x128xf32, #tpu.memory_space<vmem>> -> memref<1x128x128xf32, #tpu.memory_space<vmem>>
    %dma_wait3A_555 = tpu.memref_squeeze %dma_wait3A_554 : memref<1x128x128xf32, #tpu.memory_space<vmem>> -> memref<128x128xf32, #tpu.memory_space<vmem>>
    %dma_wait3A_556 = arith.constant 0 : i32
    %dma_wait3A_557 = tpu.memref_slice %arg6[%add3A_398, %dma_wait3A_556] : memref<16384x128xf32, #tpu.memory_space<hbm>> -> memref<128x128xf32, #tpu.memory_space<hbm>>
    %dma_wait3A_558 = arith.constant 0 : i32
    %dma_wait3A_559 = tpu.memref_slice %arg6[%add3A_398, %dma_wait3A_558] : memref<16384x128xf32, #tpu.memory_space<hbm>> -> memref<128x128xf32, #tpu.memory_space<hbm>>
    %dma_wait3A_560 = arith.constant 0 : i32
    %dma_wait3A_561 = arith.constant 0 : i32
    %dma_wait3A_562 = tpu.memref_slice %arg10[%dma_wait3A_551, %dma_wait3A_560, %dma_wait3A_561] : memref<7x128x128xf32, #tpu.memory_space<vmem>> -> memref<1x128x128xf32, #tpu.memory_space<vmem>>
    %dma_wait3A_563 = tpu.memref_squeeze %dma_wait3A_562 : memref<1x128x128xf32, #tpu.memory_space<vmem>> -> memref<128x128xf32, #tpu.memory_space<vmem>>
    tpu.wait_dma2 semaphore(%arg25 : memref<!tpu.dma_semaphore, #tpu.memory_space<semaphore_mem>>) src(%dma_wait3A_563 : memref<128x128xf32, #tpu.memory_space<vmem>>) dst(%dma_wait3A_559 : memref<128x128xf32, #tpu.memory_space<hbm>>)
    %dma_wait3A_564 = arith.constant 5 : i32
    %dma_wait3A_565 = arith.constant 0 : i32
    %dma_wait3A_566 = arith.constant 0 : i32
    %dma_wait3A_567 = tpu.memref_slice %arg10[%dma_wait3A_564, %dma_wait3A_565, %dma_wait3A_566] : memref<7x128x128xf32, #tpu.memory_space<vmem>> -> memref<1x128x128xf32, #tpu.memory_space<vmem>>
    %dma_wait3A_568 = tpu.memref_squeeze %dma_wait3A_567 : memref<1x128x128xf32, #tpu.memory_space<vmem>> -> memref<128x128xf32, #tpu.memory_space<vmem>>
    %dma_wait3A_569 = arith.constant 0 : i32
    %dma_wait3A_570 = tpu.memref_slice %arg7[%add3A_427, %dma_wait3A_569] : memref<16384x128xf32, #tpu.memory_space<hbm>> -> memref<128x128xf32, #tpu.memory_space<hbm>>
    %dma_wait3A_571 = arith.constant 0 : i32
    %dma_wait3A_572 = tpu.memref_slice %arg7[%add3A_427, %dma_wait3A_571] : memref<16384x128xf32, #tpu.memory_space<hbm>> -> memref<128x128xf32, #tpu.memory_space<hbm>>
    %dma_wait3A_573 = arith.constant 0 : i32
    %dma_wait3A_574 = arith.constant 0 : i32
    %dma_wait3A_575 = tpu.memref_slice %arg10[%dma_wait3A_564, %dma_wait3A_573, %dma_wait3A_574] : memref<7x128x128xf32, #tpu.memory_space<vmem>> -> memref<1x128x128xf32, #tpu.memory_space<vmem>>
    %dma_wait3A_576 = tpu.memref_squeeze %dma_wait3A_575 : memref<1x128x128xf32, #tpu.memory_space<vmem>> -> memref<128x128xf32, #tpu.memory_space<vmem>>
    tpu.wait_dma2 semaphore(%arg26 : memref<!tpu.dma_semaphore, #tpu.memory_space<semaphore_mem>>) src(%dma_wait3A_576 : memref<128x128xf32, #tpu.memory_space<vmem>>) dst(%dma_wait3A_572 : memref<128x128xf32, #tpu.memory_space<hbm>>)
    %dma_wait3A_577 = arith.constant 6 : i32
    %dma_wait3A_578 = arith.constant 0 : i32
    %dma_wait3A_579 = arith.constant 0 : i32
    %dma_wait3A_580 = tpu.memref_slice %arg10[%dma_wait3A_577, %dma_wait3A_578, %dma_wait3A_579] : memref<7x128x128xf32, #tpu.memory_space<vmem>> -> memref<1x128x128xf32, #tpu.memory_space<vmem>>
    %dma_wait3A_581 = tpu.memref_squeeze %dma_wait3A_580 : memref<1x128x128xf32, #tpu.memory_space<vmem>> -> memref<128x128xf32, #tpu.memory_space<vmem>>
    %dma_wait3A_582 = arith.constant 0 : i32
    %dma_wait3A_583 = tpu.memref_slice %arg6[%add3A_456, %dma_wait3A_582] : memref<16384x128xf32, #tpu.memory_space<hbm>> -> memref<128x128xf32, #tpu.memory_space<hbm>>
    %dma_wait3A_584 = arith.constant 0 : i32
    %dma_wait3A_585 = tpu.memref_slice %arg6[%add3A_456, %dma_wait3A_584] : memref<16384x128xf32, #tpu.memory_space<hbm>> -> memref<128x128xf32, #tpu.memory_space<hbm>>
    %dma_wait3A_586 = arith.constant 0 : i32
    %dma_wait3A_587 = arith.constant 0 : i32
    %dma_wait3A_588 = tpu.memref_slice %arg10[%dma_wait3A_577, %dma_wait3A_586, %dma_wait3A_587] : memref<7x128x128xf32, #tpu.memory_space<vmem>> -> memref<1x128x128xf32, #tpu.memory_space<vmem>>
    %dma_wait3A_589 = tpu.memref_squeeze %dma_wait3A_588 : memref<1x128x128xf32, #tpu.memory_space<vmem>> -> memref<128x128xf32, #tpu.memory_space<vmem>>
    tpu.wait_dma2 semaphore(%arg27 : memref<!tpu.dma_semaphore, #tpu.memory_space<semaphore_mem>>) src(%dma_wait3A_589 : memref<128x128xf32, #tpu.memory_space<vmem>>) dst(%dma_wait3A_585 : memref<128x128xf32, #tpu.memory_space<hbm>>)
    return
  }
}

module attributes {stable_mosaic.version = 14 : i64} {
  func.func @_mlp_body(%arg0: i32, %arg1: memref<4096x128xf32, #tpu.memory_space<vmem>>, %arg2: memref<4096x128xf32, #tpu.memory_space<vmem>>, %arg3: memref<264x384xf32, #tpu.memory_space<vmem>>, %arg4: memref<256x1xf32, #tpu.memory_space<vmem>>, %arg5: memref<128x256xf32, #tpu.memory_space<vmem>>, %arg6: memref<128x1xf32, #tpu.memory_space<vmem>>, %arg7: memref<8x128xf32, #tpu.memory_space<vmem>>, %arg8: memref<1xf32, #tpu.memory_space<vmem>>, %arg9: memref<4096xf32, #tpu.memory_space<vmem>>, %arg10: memref<4096xf32, #tpu.memory_space<vmem>>) attributes {dimension_semantics = [#tpu.dimension_semantics<arbitrary>], iteration_bounds = array<i64: 4>, scalar_prefetch = 0 : i64, scratch_operands = 0 : i64, tpu.core_type = #tpu.core_type<tc>, window_params = [{transform_indices = @transform_0, window_bounds = array<i64: 4096, 128>}, {transform_indices = @transform_1, window_bounds = array<i64: 4096, 128>}, {pipeline_mode = #tpu.pipeline_mode<synchronous>, transform_indices = @transform_2, window_bounds = array<i64: 264, 384>}, {pipeline_mode = #tpu.pipeline_mode<synchronous>, transform_indices = @transform_3, window_bounds = array<i64: 256, 1>}, {pipeline_mode = #tpu.pipeline_mode<synchronous>, transform_indices = @transform_4, window_bounds = array<i64: 128, 256>}, {pipeline_mode = #tpu.pipeline_mode<synchronous>, transform_indices = @transform_5, window_bounds = array<i64: 128, 1>}, {pipeline_mode = #tpu.pipeline_mode<synchronous>, transform_indices = @transform_6, window_bounds = array<i64: 8, 128>}, {pipeline_mode = #tpu.pipeline_mode<synchronous>, transform_indices = @transform_7, window_bounds = array<i64: 1>}, {transform_indices = @transform_8, window_bounds = array<i64: 4096>}, {transform_indices = @transform_9, window_bounds = array<i64: 4096>}]} {
    %get3A = arith.constant 0 : index
    %get3A_0 = arith.constant 0 : index
    %get3A_1 = vector.load %arg1[%get3A, %get3A_0] : memref<4096x128xf32, #tpu.memory_space<vmem>>, vector<4096x128xf32>
    %get3A_2 = arith.constant 0 : index
    %get3A_3 = arith.constant 0 : index
    %get3A_4 = vector.load %arg2[%get3A_2, %get3A_3] : memref<4096x128xf32, #tpu.memory_space<vmem>>, vector<4096x128xf32>
    %mul3A = arith.mulf %get3A_1, %get3A_4 : vector<4096x128xf32>
    %concatenate3A = tpu.concatenate %get3A_1, %get3A_4, %mul3A in 1 : vector<4096x128xf32>, vector<4096x128xf32>, vector<4096x128xf32> -> vector<4096x384xf32>
    %get3A_5 = arith.constant 0 : index
    %get3A_6 = arith.constant 0 : index
    %get3A_7 = vector.load %arg3[%get3A_5, %get3A_6] : memref<264x384xf32, #tpu.memory_space<vmem>>, vector<264x384xf32>
    %dot_general3A = arith.constant dense<0.000000e+00> : vector<264x4096xf32>
    %dot_general3A_8 = tpu.matmul %get3A_7, %concatenate3A, %dot_general3A {dimension_numbers = #tpu.dot_dimension_numbers<[1], [1], [0], [0], [0, 0, 1, 0], [], []>, transpose_lhs_hint = false} : vector<264x384xf32>, vector<4096x384xf32>, vector<264x4096xf32> -> vector<264x4096xf32>
    %slice3A = vector.extract_strided_slice %dot_general3A_8 {offsets = [256, 0], sizes = [1, 4096], strides = [1, 1]} : vector<264x4096xf32> to vector<1x4096xf32>
    %squeeze3A = vector.shape_cast %slice3A : vector<1x4096xf32> to vector<4096xf32>
    %swap3A = arith.constant 0 : index
    %swap3A_9 = vector.load %arg9[%swap3A] : memref<4096xf32, #tpu.memory_space<vmem>>, vector<4096xf32>
    tpu.vector_store %arg9[%swap3A], %squeeze3A {strides = array<i32>} : memref<4096xf32, #tpu.memory_space<vmem>>, vector<4096xf32>,
    %slice3A_10 = vector.extract_strided_slice %dot_general3A_8 {offsets = [0, 0], sizes = [256, 4096], strides = [1, 1]} : vector<264x4096xf32> to vector<256x4096xf32>
    %get3A_11 = arith.constant 0 : index
    %get3A_12 = arith.constant 0 : index
    %get3A_13 = vector.load %arg4[%get3A_11, %get3A_12] : memref<256x1xf32, #tpu.memory_space<vmem>>, vector<256x1xf32>
    %add3A = vector.broadcast %get3A_13 : vector<256x1xf32> to vector<256x4096xf32>
    %add3A_14 = arith.addf %slice3A_10, %add3A : vector<256x4096xf32>
    %max3A = arith.constant 0.000000e+00 : f32
    %max3A_15 = vector.broadcast %max3A : f32 to vector<256x4096xf32>
    %max3A_16 = arith.maximumf %add3A_14, %max3A_15 : vector<256x4096xf32>
    %get3A_17 = arith.constant 0 : index
    %get3A_18 = arith.constant 0 : index
    %get3A_19 = vector.load %arg5[%get3A_17, %get3A_18] : memref<128x256xf32, #tpu.memory_space<vmem>>, vector<128x256xf32>
    %dot_general3A_20 = arith.constant dense<0.000000e+00> : vector<128x4096xf32>
    %dot_general3A_21 = tpu.matmul %get3A_19, %max3A_16, %dot_general3A_20 {dimension_numbers = #tpu.dot_dimension_numbers<[1], [0], [0], [1], [0, 0, 1, 1], [], []>, transpose_lhs_hint = false} : vector<128x256xf32>, vector<256x4096xf32>, vector<128x4096xf32> -> vector<128x4096xf32>
    %get3A_22 = arith.constant 0 : index
    %get3A_23 = arith.constant 0 : index
    %get3A_24 = vector.load %arg6[%get3A_22, %get3A_23] : memref<128x1xf32, #tpu.memory_space<vmem>>, vector<128x1xf32>
    %add3A_25 = vector.broadcast %get3A_24 : vector<128x1xf32> to vector<128x4096xf32>
    %add3A_26 = arith.addf %dot_general3A_21, %add3A_25 : vector<128x4096xf32>
    %max3A_27 = arith.constant 0.000000e+00 : f32
    %max3A_28 = vector.broadcast %max3A_27 : f32 to vector<128x4096xf32>
    %max3A_29 = arith.maximumf %add3A_26, %max3A_28 : vector<128x4096xf32>
    %get3A_30 = arith.constant 0 : index
    %get3A_31 = arith.constant 0 : index
    %get3A_32 = vector.load %arg7[%get3A_30, %get3A_31] : memref<8x128xf32, #tpu.memory_space<vmem>>, vector<8x128xf32>
    %dot_general3A_33 = arith.constant dense<0.000000e+00> : vector<8x4096xf32>
    %dot_general3A_34 = tpu.matmul %get3A_32, %max3A_29, %dot_general3A_33 {dimension_numbers = #tpu.dot_dimension_numbers<[1], [0], [0], [1], [0, 0, 1, 1], [], []>, transpose_lhs_hint = false} : vector<8x128xf32>, vector<128x4096xf32>, vector<8x4096xf32> -> vector<8x4096xf32>
    %slice3A_35 = vector.extract_strided_slice %dot_general3A_34 {offsets = [0, 0], sizes = [1, 4096], strides = [1, 1]} : vector<8x4096xf32> to vector<1x4096xf32>
    %squeeze3A_36 = vector.shape_cast %slice3A_35 : vector<1x4096xf32> to vector<4096xf32>
    %get3A_37 = arith.constant 0 : index
    %get3A_38 = vector.load %arg8[%get3A_37] : memref<1xf32, #tpu.memory_space<vmem>>, vector<1xf32>
    %get3A_39 = vector.extract %get3A_38[0] : f32 from vector<1xf32>
    %add3A_40 = vector.broadcast %get3A_39 : f32 to vector<4096xf32>
    %add3A_41 = arith.addf %squeeze3A_36, %add3A_40 : vector<4096xf32>
    %swap3A_42 = arith.constant 0 : index
    %swap3A_43 = vector.load %arg10[%swap3A_42] : memref<4096xf32, #tpu.memory_space<vmem>>, vector<4096xf32>
    tpu.vector_store %arg10[%swap3A_42], %add3A_41 {strides = array<i32>} : memref<4096xf32, #tpu.memory_space<vmem>>, vector<4096xf32>,
    return
  }
  func.func @transform_0(%arg0: i32) -> (i32, i32) {
    %c0_i32 = arith.constant 0 : i32
    %c0_i32_0 = arith.constant 0 : i32
    return %arg0, %c0_i32 : i32, i32
  }
  func.func @transform_1(%arg0: i32) -> (i32, i32) {
    %c0_i32 = arith.constant 0 : i32
    %c0_i32_0 = arith.constant 0 : i32
    return %arg0, %c0_i32 : i32, i32
  }
  func.func @transform_2(%arg0: i32) -> (i32, i32) {
    %c0_i32 = arith.constant 0 : i32
    %c0_i32_0 = arith.constant 0 : i32
    %c0_i32_1 = arith.constant 0 : i32
    return %c0_i32, %c0_i32_0 : i32, i32
  }
  func.func @transform_3(%arg0: i32) -> (i32, i32) {
    %c0_i32 = arith.constant 0 : i32
    %c0_i32_0 = arith.constant 0 : i32
    %c0_i32_1 = arith.constant 0 : i32
    return %c0_i32, %c0_i32_0 : i32, i32
  }
  func.func @transform_4(%arg0: i32) -> (i32, i32) {
    %c0_i32 = arith.constant 0 : i32
    %c0_i32_0 = arith.constant 0 : i32
    %c0_i32_1 = arith.constant 0 : i32
    return %c0_i32, %c0_i32_0 : i32, i32
  }
  func.func @transform_5(%arg0: i32) -> (i32, i32) {
    %c0_i32 = arith.constant 0 : i32
    %c0_i32_0 = arith.constant 0 : i32
    %c0_i32_1 = arith.constant 0 : i32
    return %c0_i32, %c0_i32_0 : i32, i32
  }
  func.func @transform_6(%arg0: i32) -> (i32, i32) {
    %c0_i32 = arith.constant 0 : i32
    %c0_i32_0 = arith.constant 0 : i32
    %c0_i32_1 = arith.constant 0 : i32
    return %c0_i32, %c0_i32_0 : i32, i32
  }
  func.func @transform_7(%arg0: i32) -> i32 {
    %c0_i32 = arith.constant 0 : i32
    %c0_i32_0 = arith.constant 0 : i32
    return %c0_i32 : i32
  }
  func.func @transform_8(%arg0: i32) -> i32 {
    %c0_i32 = arith.constant 0 : i32
    return %arg0 : i32
  }
  func.func @transform_9(%arg0: i32) -> i32 {
    %c0_i32 = arith.constant 0 : i32
    return %arg0 : i32
  }
}

</mosaic_0001>

<sc_bundles>
// kernel: kernel.4.cloned.1.call-start
scs
__scs_entry_jumppad:
0x0: {  	(pc) =	sbr.rel $0x88, $3  }
0x1: {  	(tag) =	ssettag $0x0;
	lr =	simm.s32 $0x1  }
0x2: {  	[smem:$0x3F97] =	sst lr;
	_ =	strace $0xD0000000  }
0x3: {  	_ = 	snop  }
0x4: {  	_ = 	snop  }
0x5: {  	_ = 	snop  }
0x6: {  	_ = 	snop  }
0x7: {  	_ = 	snop  }
__scs_overlays_trampoline_lowered:
0x8: {  	[smem:$0x3FA6] =	sst s0  }
0x9: {  	[smem:$0x3FA7] =	sst s1  }
0xa: {  	[smem:$0x3FA8] =	sst s2  }
0xb: {  	[smem:$0x3FA9] =	sst s3  }
0xc: {  	[smem:$0x3FAA] =	sst s4  }
0xd: {  	[smem:$0x3FAB] =	sst s5  }
0xe: {  	[smem:$0x3FAC] =	sst s6  }
0xf: {  	[smem:$0x3FAD] =	sst s7  }
0x10: {  	[smem:$0x3FAE] =	sst s8  }
0x11: {  	[smem:$0x3FAF] =	sst s9;
	s0 =	simm.s32 @!p0 $0x0  }
0x12: {  	s1 =	sld [smem:$0x3F95];
	s0 =	simm.s32 @p0 $0x1  }
0x13: {  	[smem:$0x3FB0] =	sst s0;
	s0 =	simm.s32 @!p1 $0x0  }
0x14: {  	s2 =	sld [smem:$0x3F94];
	s0 =	simm.s32 @p1 $0x1  }
0x15: {  	[smem:$0x3FB1] =	sst s0;
	s0 =	simm.s32 @!p2 $0x0  }
0x16: {  	s3 =	sld [smem:$0x3FDB];
	s0 =	simm.s32 @p2 $0x1  }
0x17: {  	s4 =	simm.s32 $0x1BF5;
	[smem:$0x3FB3] =	sst s0  }
0x18: {  	s0 =	sld [smem:$0x3F96];
	_ =	swait.ge [sflag:s4], $0x0  }
0x19: {  	s7 =	sld [smem:$0x3F97]  }
0x1a: {  	s8 =	sadd.s32 $0xFFFFE003, lr  }
0x1b: {  	s9 =	sadd.s32 $0xFFFFFEF7, lr;
	s5 =	simm.s32 $0xFFFFFFFF;
	p2 =	slt.u32 s8, $0xFFFFF086  }
0x1c: {  	p1 =	slt.u32 s9, $0xF7A;
	s5 =	simm.s32 @!p2 $0x0  }
0x1d: {  	s5 =	simm.s32 @p1 $0x1;
	p0 =	seq.s32 s7, s2  }
0x1e: {  	s7 =	smul.u32 @!p0 $0xF7A, s2;
	p2 =	seq.s32 @!p0 s5, $0x0  }
0x1f: {  	s9 =	smul.u32 $0xF7A, s1;
	s8 =	simm.s32 @!p0 $0x1BF5;
	p2 =	por !p2, p0  }
0x20: {  	[sflag:s8] =	ssyncset.s32 @!p0 $0xFFFFF086;
	s6 =	sadd.s32 @!p0 s3, s7;
	s7 =	simm.s32 @!p0 $0x108  }
0x21: {  	s3 =	sadd.s32 s3, s9;
	s6 =	sadd.s32 @!p0 $0x88, s6;
	s7 =	simm.s32 @p2 $0x1082  }
0x22: {  	[simem:s7], [sflag:s8] =	dma.local @!p0 [hbm:s6], $0xF7A  }
0x23: {  	s9 =	sor.u32 $0xD0000000, s2;
	s6 =	simm.s32 $0x108;
	_ =	swait.ge @!p0 [sflag:s8], $0x0  }
0x24: {  	s3 =	sadd.s32 $0x88, s3;
	s6 =	simm.s32 @!p1 $0x1082;
	[sflag:s4] =	ssyncset.s32 $0xFFFFF086  }
0x25: {  	[simem:s6], [sflag:s4] =	dma.local [hbm:s3], $0xF7A  }
0x26: {  	[smem:$0x3F97] =	sst s1;
	(tag) =	ssettag s2;
	_ =	strace s9  }
0x27: {  	s1 =	sld [smem:$0x3FA7]  }
0x28: {  	s2 =	sld [smem:$0x3FA8]  }
0x29: {  	s4 =	sld [smem:$0x3FAA]  }
0x2a: {  	p0 =	seq.s32 s5, $0x0;
	s5 =	sld [smem:$0x3FAB]  }
0x2b: {  	s6 =	sld [smem:$0x3FAC]  }
0x2c: {  	s7 =	sld [smem:$0x3FAD]  }
0x2d: {  	s3 =	simm.s32 $0x108;
	s8 =	sld [smem:$0x3FAE]  }
0x2e: {  	s3 =	simm.s32 @!p0 $0x1082;
	s9 =	sld [smem:$0x3FAF]  }
0x2f: {  	lr =	sadd.s32 s0, s3;
	s0 =	sld [smem:$0x3FA6]  }
0x30: {  	s3 =	sld [smem:$0x3FA9]  }
0x31: {  	[smem:$0x3FB2] =	sst s10  }
0x32: {  	s10 =	sld [smem:$0x3FB0];
	_ =	sdelay $0x3  }
0x33: {  	p0 =	seq.s32 s10, $0x1;
	s10 =	sld [smem:$0x3FB2];
	_ =	sdelay $0x3  }
0x34: {  	[smem:$0x3FB2] =	sst s10  }
0x35: {  	s10 =	sld [smem:$0x3FB1];
	_ =	sdelay $0x3  }
0x36: {  	p1 =	seq.s32 s10, $0x1;
	s10 =	sld [smem:$0x3FB2];
	_ =	sdelay $0x3  }
0x37: {  	[smem:$0x3FB2] =	sst s10  }
0x38: {  	s10 =	sld [smem:$0x3FB3]  }
0x39: {  	_ = 	snop;
	(pc) =	sbr.ind lr, $3  }
0x3a: {  	_ = 	snop  }
0x3b: {  	_ = 	snop  }
0x3c: {  	p2 =	seq.s32 s10, $0x1;
	s10 =	sld [smem:$0x3FB2]  }
0x3d: {  	_ =	shalt  }
0x3e: {  	_ =	shalt  }
0x3f: {  	_ =	shalt  }
0x40: {  	_ =	shalt  }
0x41: {  	_ =	shalt  }
0x42: {  	_ =	shalt  }
0x43: {  	_ =	shalt  }
0x44: {  	_ =	shalt  }
0x45: {  	_ =	shalt  }
0x46: {  	_ =	shalt  }
0x47: {  	_ =	shalt  }
0x48: {  	_ =	shalt  }
0x49: {  	_ =	shalt  }
0x4a: {  	_ =	shalt  }
0x4b: {  	_ =	shalt  }
0x4c: {  	_ =	shalt  }
0x4d: {  	_ =	shalt  }
0x4e: {  	_ =	shalt  }
0x4f: {  	_ =	shalt  }
0x50: {  	_ =	shalt  }
0x51: {  	_ =	shalt  }
0x52: {  	_ =	shalt  }
0x53: {  	_ =	shalt  }
0x54: {  	_ =	shalt  }
0x55: {  	_ =	shalt  }
0x56: {  	_ =	shalt  }
0x57: {  	_ =	shalt  }
0x58: {  	_ =	shalt  }
0x59: {  	_ =	shalt  }
0x5a: {  	_ =	shalt  }
0x5b: {  	_ =	shalt  }
0x5c: {  	_ =	shalt  }
0x5d: {  	_ =	shalt  }
0x5e: {  	_ =	shalt  }
0x5f: {  	_ =	shalt  }
0x60: {  	_ =	shalt  }
0x61: {  	_ =	shalt  }
0x62: {  	_ =	shalt  }
0x63: {  	_ =	shalt  }
0x64: {  	_ =	shalt  }
0x65: {  	_ =	shalt  }
0x66: {  	_ =	shalt  }
0x67: {  	_ =	shalt  }
0x68: {  	_ =	shalt  }
0x69: {  	_ =	shalt  }
0x6a: {  	_ =	shalt  }
0x6b: {  	_ =	shalt  }
0x6c: {  	_ =	shalt  }
0x6d: {  	_ =	shalt  }
0x6e: {  	_ =	shalt  }
0x6f: {  	_ =	shalt  }
0x70: {  	_ =	shalt  }
0x71: {  	_ =	shalt  }
0x72: {  	_ =	shalt  }
0x73: {  	_ =	shalt  }
0x74: {  	_ =	shalt  }
0x75: {  	_ =	shalt  }
0x76: {  	_ =	shalt  }
0x77: {  	_ =	shalt  }
0x78: {  	_ =	shalt  }
0x79: {  	_ =	shalt  }
0x7a: {  	_ =	shalt  }
0x7b: {  	_ =	shalt  }
0x7c: {  	_ =	shalt  }
0x7d: {  	_ =	shalt  }
0x7e: {  	_ =	shalt  }
0x7f: {  	_ =	shalt  }
0x80: {  	_ =	shalt  }
0x81: {  	_ =	shalt  }
0x82: {  	_ =	shalt  }
0x83: {  	_ =	shalt  }
0x84: {  	_ =	shalt  }
0x85: {  	_ =	shalt  }
0x86: {  	_ =	shalt  }
0x87: {  	_ =	shalt  }
.Lfunc_end0:
.L_simem_size_0:
called_computation_lowered:
.L_overlay_start_0:
0x88: {  	s2 =	sld [smem:$0x3FD9]  }
0x89: {  	s3 =	sld [smem:$0x3FFE];
	_ =	sdelay $0x1  }
0x8a: {  	s1 =	srdreg.scid  }
0x8b: {  	s0 =	sand.u32 $0x1, s1  }
0x8c: {  	s17 =	sshll.u32 s0, $0xA;
	s2 =	sadd.s32 s3, s2  }
0x8d: {  	s2 =	sadd.s32 s2, s17  }
0x8e: {  	[smem:$0x3FBE] =	sst s2  }
0x8f: {  	_ = 	snop  }
0x90: {  	s2 =	sld [smem:$0x3FC9]  }
0x91: {  	s18 =	sld [smem:$0x3FC8]  }
0x92: {  	s4 =	sld [smem:$0x3FC7]  }
0x93: {  	s5 =	sld [smem:$0x3FC6];
	(tm) =	ssettm $0x1  }
0x94: {  	s6 =	sld [smem:$0x3FFB];
	_ =	sdelay $0x3  }
0x95: {  	_ =	strace s6  }
0x96: {  	s6 =	sld [smem:$0x3FFC];
	_ =	sdelay $0x3  }
0x97: {  	_ =	strace s6  }
0x98: {  	s6 =	sld [smem:$0x3FFD];
	_ =	sdelay $0x3  }
0x99: {  	_ =	strace s6  }
0x9a: {  	_ =	strace $0x8FFFFFFF  }
0x9b: {  	s19 =	sld [smem:$0x3FDB];
	_ =	sdelay $0x1  }
0x9c: {  	s7 =	simm.s32 $_scs_section_size  }
0x9d: {  	s8 =	simm.s32 $_size__tile_overlayer_lowered;
	s9 =	simm.s32 $_tile_overlayer_lowered  }
0x9e: {  	s22 =	simm.s32 $0x1BFF;
	s21 =	sshll.u32 s9, $0x1;
	s6 =	sadd.s32 s7, s19  }
0x9f: {  	s10 =	simm.s32 $0x0;
	s20 =	sshll.u32 s8, $0x1;
	s8 =	sadd.s32 s21, s6  }
0xa0: {  	[timem:s10], [sflag:s22] =	dma.local [hbm:s8], s20  }
0xa1: {  	_ =	swait.ge [sflag:s22], s20  }
0xa2: {  	s7 =	ssub.s32 $0x0, s20;
	[sflag:s22] =	ssyncset.done $0x0  }
0xa3: {  	[sflag:s22] =	ssyncadd.s32 s7;
	_ =	sdelay $0x1  }
0xa4: {  	s23 =	simm.s32 $0x1B8B  }
0xa5: {  	_ =	swait.ge [sflag:s23], $0x1  }
0xa6: {  	[sflag:s23] =	ssyncset.done $0x0  }
0xa7: {  	s25 =	simm.s32 $0x1B8E;
	s24 =	sld [smem:$0x3FFE];
	[sflag:s23] =	ssyncadd.s32 $0xFFFFFFFF  }
0xa8: {  	s26 =	simm.s32 $execute0_lowered;
	[smem:$0x3FD2] =	sst s25  }
0xa9: {  	s8 =	sshll.u32 s26, $0x1;
	_ =	strace $0x80000046;
	[dreg:$0x1] =	wrdreg $0xFFFFFFFF  }
0xaa: {  	s28 =	simm.s32 $_size_execute0_lowered;
	s6 =	sadd.s32 s6, s8;
	[dreg:$0x0] =	wrdreg $0x0  }
0xab: {  	s8 =	sshll.u32 s28, $0x1;
	[dreg:$0x2] =	wrdreg s6  }
0xac: {  	[dreg:$0x3] =	wrdreg s8  }
0xad: {  	[dreg:$0x4] =	wrdreg $0xC0  }
0xae: {  	_ =	task [dreg:s10], $0x5FFFF  }
0xaf: {  	[dreg:$0x1] =	wrdreg $0xFFFFFFFF  }
0xb0: {  	[dreg:$0x0] =	wrdreg $0x60  }
0xb1: {  	[dreg:$0x2] =	wrdreg s2  }
0xb2: {  	[dreg:$0x3] =	wrdreg s18  }
0xb3: {  	[dreg:$0x4] =	wrdreg s4  }
0xb4: {  	[dreg:$0x5] =	wrdreg s5  }
0xb5: {  	[dreg:$0x6] =	wrdreg s24  }
0xb6: {  	[dreg:$0x7] =	wrdreg $0x9  }
0xb7: {  	_ =	task.clear_ibuf [dreg:s10], $0x8FFFF;
	_ =	strace $0x90000046  }
0xb8: {  	s29 =	simm.s32 $0x9;
	_ =	strace $0x80000048  }
0xb9: {  	_ =	swait.ge [sflag:s29], $0x1  }
0xba: {  	[sflag:s29] =	ssyncadd.s32 $0xFFFFFFFF  }
0xbb: {  	_ =	strace $0x90000048  }
0xbc: {  	_ =	sfence  }
0xbd: {  	s30 =	sld [smem:$0x0];
	_ =	sdelay $0x2  }
0xbe: {  	s31 =	sshll.u32 s1, $0xD;
	s1 =	sshrl.u32 s1, $0x2  }
0xbf: {  	s3 =	sand.u32 $0x4000, s31;
	s1 =	sadd.s32 s1, s30  }
0xc0: {  	s0 =	sor.u32 s3, s0;
	s1 =	sshll.u32 s1, $0x11  }
0xc1: {  	s0 =	sor.u32 s1, s0  }
0xc2: {  	s0 =	sadd.s32 $0x8F2B, s0  }
0xc3: {  	[sflag:s0] =	ssyncadd.remote.s32 $0x1  }
0xc4: {  	_ =	sfence.sel $0xFFFF  }
0xc5: {  	[dreg:$0x0] =	wrdreg $0xFFFFFFFF;
	(pc) =	sbr.abs _section_cstart, $3  }
0xc6: {  	[dreg:$0x1] =	wrdreg $0xFFFFFFFF  }
0xc7: {  	_ =	task.clear_ibuf [dreg:s10], $0x2FFFF;
	_ =	strace $0x9FFFFFFF  }
0xc8: {  	(tm) =	ssettm $0x7FFFFFFF  }
0xc9: {  	_ =	shalt  }
tec
execute0_lowered:
.L_overlay_start_1:
0x0: {  	(tag) =	ssettag $0x1  }
0x1: {  	s0 =	rddreg [dreg:$0x0]  }
0x2: {  	s1 =	rddreg [dreg:$0x1]  }
0x3: {  	s4 =	rddreg [dreg:$0x2];
	s2 =	srdreg.scid  }
0x4: {  	s3 =	rddreg [dreg:$0x3];
	s21 =	stileid.u32  }
0x5: {  	s6 =	rddreg [dreg:$0x4];
	p0 =	por $0x0, $0x0;
	s31 =	simm.s32 $0x6  }
0x6: {  	s5 =	sand.u32 $0x1, s2;
	s7 =	sshll.u32 s21, $0xA;
	s2 =	simm.s32 $0x0  }
0x7: {  	s13 =	sadd.s32 $0x1600, s6;
	s6 =	sadd.s32 $0x41600, s6;
	s8 =	sshll.u32 s5, $0x9  }
0x8: {  	[smem:$0x7FF] =	sst s2;
	s5 =	ssub.s32 $0x2, s5;
	s7 =	sor.u32 s8, s7  }
0x9: {  	_ =	strace $0x80000047;
	s8 =	sshrl.u32 s7, $0x3;
	s10 =	sor.u32 $0x80, s7  }
0xa: {  	s11 =	sor.u32 $0x100, s7;
	s12 =	sor.u32 $0x180, s7;
	s14 =	sshll.u32 s7, $0x4  }
0xb: {  	s7 =	simm.s32 $0x10;
	s9 =	sadd.s32 s0, s8;
	s8 =	sadd.s32 s1, s8  }
0xc: {  	s23 =	sshrl.u32 s10, $0x3;
	s26 =	sshrl.u32 s11, $0x3;
	s30 =	sshrl.u32 s12, $0x3  }
0xd: {  	s15 =	sadd.s32 s13, s14;
	s16 =	sadd.s32 s6, s14;
	[dreg:$0x6] =	wrdreg s9  }
0xe: {  	s17 =	sshll.u32 s10, $0x4;
	s20 =	sshll.u32 s11, $0x4;
	[dreg:$0x7] =	wrdreg s8  }
0xf: {  	s10 =	simm.s32 $0x4;
	s14 =	simm.s32 $0xC;
	[dreg:$0xe] =	wrdreg s15  }
0x10: {  	s11 =	simm.s32 $0xE;
	s24 =	sadd.s32 s0, s23;
	[dreg:$0xf] =	wrdreg s16  }
0x11: {  	s25 =	sadd.s32 s1, s23;
	s28 =	sadd.s32 s0, s26;
	[dreg:$0x8] =	wrdreg s24  }
0x12: {  	s29 =	sadd.s32 s1, s26;
	s0 =	sadd.s32 s0, s30;
	[dreg:$0x9] =	wrdreg s25  }
0x13: {  	s9 =	sadd.s32 s1, s30;
	s18 =	sadd.s32 s13, s17;
	[dreg:$0xa] =	wrdreg s28  }
0x14: {  	s19 =	sadd.s32 s6, s17;
	s22 =	sadd.s32 s13, s20;
	[dreg:$0xb] =	wrdreg s29  }
0x15: {  	s23 =	sadd.s32 s6, s20;
	s26 =	sshrl.u32 s5, $0x1;
	[dreg:$0xc] =	wrdreg s0  }
0x16: {  	s17 =	simm.s32 $0x80;
	s16 =	simm.s32 $0x2;
	[dreg:$0xd] =	wrdreg s9  }
0x17: {  	s15 =	simm.s32 $0x3;
	s1 =	simm.s32 $0x5;
	[dreg:$0x10] =	wrdreg s18  }
0x18: {  	s8 =	simm.s32 $0xB;
	[dreg:$0x11] =	wrdreg s19;
	s29 =	ssub.s32 s5, s26  }
0x19: {  	[dreg:$0x12] =	wrdreg s22;
	s24 =	sshll.u32 s12, $0x4;
	s30 =	smax.u32 s29, $0x1  }
0x1a: {  	[dreg:$0x13] =	wrdreg s23;
	s5 =	simm.s32 $0x400;
	p1 =	sne.s32 s30, $0x1  }
.Ltmp0:
0x1b: {  	s0 =	simm.s32 $0x1;
	s26 =	simm.s32 $0x7;
	(pc) =	sbr.rel @!p1 .LBB2_5-.Ltmp0, $4  }
0x1c: {  	s23 =	simm.s32 $0x8;
	s22 =	simm.s32 $0x9;
	s19 =	simm.s32 $0xA  }
0x1d: {  	s12 =	simm.s32 $0xD;
	s20 =	rddreg [dreg:$0x6];
	s25 =	sadd.s32 s13, s24  }
0x1e: {  	s9 =	simm.s32 $0xF;
	s28 =	sadd.s32 s6, s24;
	[dreg:$0x14] =	wrdreg s25  }
0x1f: {  	s6 =	simm.s32 $0x11;
	[dreg:$0x15] =	wrdreg s28;
	s13 =	sadd.s32 $0xFFFFFFFF, s30  }
0x20: {  	[tilespmem:s2], [sflag:$0x2] =	stream.linear.gather [hbm4b:s20+s2], $0x80, $0x38;
	[tilespmem:$0x1C400] =	vst v63  }
0x21: {  	s18 =	rddreg [dreg:$0x7];
	s28 =	simm.s32 $0x200  }
0x22: {  	[tilespmem:s28], [sflag:$0x3] =	stream.linear.gather [hbm4b:s18+s2], $0x80, $0x38;
	[tilespmem:$0x1C400] =	vst v63  }
0x23: {  	s29 =	rddreg [dreg:$0x8]  }
0x24: {  	[tilespmem:s17], [sflag:$0x1] =	stream.linear.gather [hbm4b:s29+s2], $0x80, $0x38;
	[tilespmem:$0x1C400] =	vst v63  }
0x25: {  	s30 =	rddreg [dreg:$0x9];
	s21 =	simm.s32 $0x280  }
0x26: {  	[tilespmem:s21], [sflag:$0x1] =	stream.linear.gather [hbm4b:s30+s2], $0x80, $0x38;
	[tilespmem:$0x1C400] =	vst v63  }
0x27: {  	s24 =	rddreg [dreg:$0xa];
	s25 =	simm.s32 $0x100  }
0x28: {  	[tilespmem:s25], [sflag:$0x1] =	stream.linear.gather [hbm4b:s24+s2], $0x80, $0x38;
	[tilespmem:$0x1C400] =	vst v63  }
0x29: {  	s29 =	rddreg [dreg:$0xb];
	s24 =	simm.s32 $0x300  }
0x2a: {  	[tilespmem:s24], [sflag:$0x1] =	stream.linear.gather [hbm4b:s29+s2], $0x80, $0x38;
	[tilespmem:$0x1C400] =	vst v63  }
0x2b: {  	s20 =	rddreg [dreg:$0xc];
	s29 =	simm.s32 $0x180  }
0x2c: {  	[tilespmem:s29], [sflag:$0x1] =	stream.linear.gather [hbm4b:s20+s2], $0x80, $0x38;
	[tilespmem:$0x1C400] =	vst v63  }
0x2d: {  	s30 =	rddreg [dreg:$0xd];
	s20 =	simm.s32 $0x380  }
0x2e: {  	[tilespmem:s20], [sflag:$0x1] =	stream.linear.gather [hbm4b:s30+s2], $0x80, $0x38;
	[tilespmem:$0x1C400] =	vst v63  }
0x2f: {  	_ =	swait.ge [sflag:s16], $0x80  }
0x30: {  	[sflag:s16] =	ssyncset.done $0x0  }
0x31: {  	[sflag:s16] =	ssyncadd.s32 $0xFFFFFF80  }
0x32: {  	[tilespmem:s5], [sflag:$0x4] =	stream.indirect.gather [hbm4b:s4+s17], $0x80, s2, s17, $0xb8;
	[tilespmem:$0x1C400] =	vst v63  }
0x33: {  	_ =	swait.ge [sflag:s15], $0x80  }
0x34: {  	[sflag:s15] =	ssyncset.done $0x0  }
0x35: {  	s29 =	simm.s32 $0x4400;
	[sflag:s15] =	ssyncadd.s32 $0xFFFFFF80  }
0x36: {  	[tilespmem:s29], [sflag:$0x5] =	stream.indirect.gather [hbm4b:s3+s17], $0x80, s28, s17, $0xb8;
	[tilespmem:$0x1C400] =	vst v63  }
0x37: {  	_ =	swait.ge [sflag:s0], $0x80  }
0x38: {  	[sflag:s0] =	ssyncset.done $0x0  }
0x39: {  	[sflag:s0] =	ssyncadd.s32 $0xFFFFFF80  }
0x3a: {  	_ =	swait.ge [sflag:s0], $0x80  }
0x3b: {  	[sflag:s0] =	ssyncset.done $0x0  }
0x3c: {  	[sflag:s0] =	ssyncadd.s32 $0xFFFFFF80  }
0x3d: {  	_ =	swait.ge [sflag:s0], $0x80  }
0x3e: {  	[sflag:s0] =	ssyncset.done $0x0  }
0x3f: {  	[sflag:s0] =	ssyncadd.s32 $0xFFFFFF80  }
0x40: {  	_ =	swait.ge [sflag:s0], $0x80  }
0x41: {  	[sflag:s0] =	ssyncset.done $0x0  }
0x42: {  	[sflag:s0] =	ssyncadd.s32 $0xFFFFFF80  }
0x43: {  	_ =	swait.ge [sflag:s0], $0x80  }
0x44: {  	[sflag:s0] =	ssyncset.done $0x0  }
0x45: {  	[sflag:s0] =	ssyncadd.s32 $0xFFFFFF80  }
0x46: {  	_ =	swait.ge [sflag:s0], $0x80  }
0x47: {  	[sflag:s0] =	ssyncset.done $0x0  }
0x48: {  	s28 =	simm.s32 $0x8400;
	[sflag:s0] =	ssyncadd.s32 $0xFFFFFF80  }
0x49: {  	[tilespmem:s28], [sflag:$0x6] =	stream.indirect.gather [hbm4b:s4+s17], $0x80, s17, s17, $0xb8;
	[tilespmem:$0x1C400] =	vst v63  }
0x4a: {  	s30 =	simm.s32 $0xC400  }
0x4b: {  	[tilespmem:s30], [sflag:$0x7] =	stream.indirect.gather [hbm4b:s3+s17], $0x80, s21, s17, $0xb8;
	[tilespmem:$0x1C400] =	vst v63  }
0x4c: {  	s21 =	simm.s32 $0x10400  }
0x4d: {  	[tilespmem:s21], [sflag:$0x8] =	stream.indirect.gather [hbm4b:s4+s17], $0x80, s25, s17, $0xb8;
	[tilespmem:$0x1C400] =	vst v63  }
0x4e: {  	s25 =	simm.s32 $0x14400  }
0x4f: {  	[tilespmem:s25], [sflag:$0x9] =	stream.indirect.gather [hbm4b:s3+s17], $0x80, s24, s17, $0xb8;
	[tilespmem:$0x1C400] =	vst v63  }
0x50: {  	_ =	swait.ge [sflag:s10], $0x4000  }
0x51: {  	[sflag:s10] =	ssyncset.done $0x0  }
0x52: {  	s24 =	rddreg [dreg:$0xe];
	[sflag:s10] =	ssyncadd.s32 $0xFFFFC000  }
0x53: {  	[hbm4b:s24+s2] =	stream.linear.scatter [tilespmem:s5], [sflag:$0xB], $0x4000, $0x38;
	[tilespmem:$0x1C400] =	vst v63  }
0x54: {  	s18 =	simm.s32 $0x180;
	s24 =	simm.s32 $0x18400  }
0x55: {  	[tilespmem:s24], [sflag:$0xA] =	stream.indirect.gather [hbm4b:s4+s17], $0x80, s18, s17, $0xb8;
	[tilespmem:$0x1C400] =	vst v63  }
0x56: {  	_ =	swait.ge [sflag:s1], $0x4000  }
0x57: {  	[sflag:s1] =	ssyncset.done $0x0  }
0x58: {  	s18 =	rddreg [dreg:$0xf];
	[sflag:s1] =	ssyncadd.s32 $0xFFFFC000  }
0x59: {  	[hbm4b:s18+s2] =	stream.linear.scatter [tilespmem:s29], [sflag:$0xC], $0x4000, $0x38;
	[tilespmem:$0x1C400] =	vst v63  }
0x5a: {  	_ =	swait.ge [sflag:s8], $0x4000  }
0x5b: {  	[sflag:s8] =	ssyncset.done $0x0  }
0x5c: {  	[sflag:s8] =	ssyncadd.s32 $0xFFFFC000  }
0x5d: {  	[tilespmem:s5], [sflag:$0x4] =	stream.indirect.gather [hbm4b:s3+s17], $0x80, s20, s17, $0xb8;
	[tilespmem:$0x1C400] =	vst v63  }
0x5e: {  	_ =	swait.ge [sflag:s31], $0x4000  }
0x5f: {  	[sflag:s31] =	ssyncset.done $0x0  }
0x60: {  	s20 =	rddreg [dreg:$0x10];
	[sflag:s31] =	ssyncadd.s32 $0xFFFFC000  }
0x61: {  	[hbm4b:s20+s2] =	stream.linear.scatter [tilespmem:s28], [sflag:$0xD], $0x4000, $0x38;
	[tilespmem:$0x1C400] =	vst v63  }
0x62: {  	_ =	swait.ge [sflag:s26], $0x4000  }
0x63: {  	[sflag:s26] =	ssyncset.done $0x0  }
0x64: {  	s29 =	rddreg [dreg:$0x11];
	[sflag:s26] =	ssyncadd.s32 $0xFFFFC000  }
0x65: {  	[hbm4b:s29+s2] =	stream.linear.scatter [tilespmem:s30], [sflag:$0xE], $0x4000, $0x38;
	[tilespmem:$0x1C400] =	vst v63  }
0x66: {  	_ =	swait.ge [sflag:s23], $0x4000  }
0x67: {  	[sflag:s23] =	ssyncset.done $0x0  }
0x68: {  	s20 =	rddreg [dreg:$0x12];
	[sflag:s23] =	ssyncadd.s32 $0xFFFFC000  }
0x69: {  	[hbm4b:s20+s2] =	stream.linear.scatter [tilespmem:s21], [sflag:$0xF], $0x4000, $0x38;
	[tilespmem:$0x1C400] =	vst v63  }
0x6a: {  	_ =	swait.ge [sflag:s22], $0x4000  }
0x6b: {  	[sflag:s22] =	ssyncset.done $0x0  }
0x6c: {  	s28 =	rddreg [dreg:$0x13];
	[sflag:s22] =	ssyncadd.s32 $0xFFFFC000  }
0x6d: {  	[hbm4b:s28+s2] =	stream.linear.scatter [tilespmem:s25], [sflag:$0x10], $0x4000, $0x38;
	[tilespmem:$0x1C400] =	vst v63  }
0x6e: {  	_ =	swait.ge [sflag:s19], $0x4000  }
0x6f: {  	[sflag:s19] =	ssyncset.done $0x0  }
0x70: {  	s29 =	rddreg [dreg:$0x14];
	[sflag:s19] =	ssyncadd.s32 $0xFFFFC000  }
0x71: {  	[hbm4b:s29+s2] =	stream.linear.scatter [tilespmem:s24], [sflag:$0x11], $0x4000, $0x38;
	[tilespmem:$0x1C400] =	vst v63  }
0x72: {  	_ =	swait.ge [sflag:s10], $0x4000  }
0x73: {  	[sflag:s10] =	ssyncset.done $0x0  }
0x74: {  	s30 =	rddreg [dreg:$0x15];
	[sflag:s10] =	ssyncadd.s32 $0xFFFFC000  }
0x75: {  	[hbm4b:s30+s2] =	stream.linear.scatter [tilespmem:s5], [sflag:$0xB], $0x4000, $0x38;
	[tilespmem:$0x1C400] =	vst v63  }
0x76: {  	_ =	swait.ge [sflag:s8], $0x4000  }
0x77: {  	[sflag:s8] =	ssyncset.done $0x0  }
0x78: {  	[sflag:s8] =	ssyncadd.s32 $0xFFFFC000  }
0x79: {  	_ =	swait.ge [sflag:s14], $0x4000  }
0x7a: {  	[sflag:s14] =	ssyncset.done $0x0  }
0x7b: {  	[sflag:s14] =	ssyncadd.s32 $0xFFFFC000  }
0x7c: {  	_ =	swait.ge [sflag:s12], $0x4000  }
0x7d: {  	[sflag:s12] =	ssyncset.done $0x0  }
0x7e: {  	[sflag:s12] =	ssyncadd.s32 $0xFFFFC000  }
0x7f: {  	_ =	swait.ge [sflag:s11], $0x4000  }
0x80: {  	[sflag:s11] =	ssyncset.done $0x0  }
0x81: {  	[sflag:s11] =	ssyncadd.s32 $0xFFFFC000  }
0x82: {  	_ =	swait.ge [sflag:s9], $0x4000  }
0x83: {  	[sflag:s9] =	ssyncset.done $0x0  }
0x84: {  	p1 =	sne.s32 s13, $0x1;
	[sflag:s9] =	ssyncadd.s32 $0xFFFFC000  }
.Ltmp1:
0x85: {  	_ =	swait.ge [sflag:s7], $0x4000;
	(pc) =	sbr.rel @!p1 .LBB2_6-.Ltmp1, $4  }
0x86: {  	[sflag:s7] =	ssyncset.done $0x0  }
0x87: {  	[sflag:s7] =	ssyncadd.s32 $0xFFFFC000  }
0x88: {  	p0 =	por $0x1, $0x1;
	_ =	swait.ge [sflag:s6], $0x4000  }
0x89: {  	s18 =	sadd.s32 $0xFFFFFFFF, s13;
	s20 =	rddreg [dreg:$0x6];
	[sflag:s6] =	ssyncset.done $0x0  }
0x8a: {  	s13 =	simm.s32 $0x180;
	s25 =	simm.s32 $0x380  }
.LBB2_3:
0x8b: {  	[sflag:s6] =	ssyncadd.s32 $0xFFFFC000  }
0x8c: {  	[tilespmem:s2], [sflag:$0x2] =	stream.linear.gather [hbm4b:s20+s2], $0x80, $0x38;
	[tilespmem:$0x1C400] =	vst v63  }
0x8d: {  	s21 =	rddreg [dreg:$0x7];
	s29 =	simm.s32 $0x200  }
0x8e: {  	[tilespmem:s29], [sflag:$0x3] =	stream.linear.gather [hbm4b:s21+s2], $0x80, $0x38;
	[tilespmem:$0x1C400] =	vst v63  }
0x8f: {  	s30 =	rddreg [dreg:$0x8]  }
0x90: {  	[tilespmem:s17], [sflag:$0x1] =	stream.linear.gather [hbm4b:s30+s2], $0x80, $0x38;
	[tilespmem:$0x1C400] =	vst v63  }
0x91: {  	s6 =	rddreg [dreg:$0x9];
	s28 =	simm.s32 $0x280  }
0x92: {  	[tilespmem:s28], [sflag:$0x1] =	stream.linear.gather [hbm4b:s6+s2], $0x80, $0x38;
	[tilespmem:$0x1C400] =	vst v63  }
0x93: {  	s24 =	rddreg [dreg:$0xa];
	s30 =	simm.s32 $0x100  }
0x94: {  	[tilespmem:s30], [sflag:$0x1] =	stream.linear.gather [hbm4b:s24+s2], $0x80, $0x38;
	[tilespmem:$0x1C400] =	vst v63  }
0x95: {  	s6 =	rddreg [dreg:$0xb];
	s24 =	simm.s32 $0x300  }
0x96: {  	[tilespmem:s24], [sflag:$0x1] =	stream.linear.gather [hbm4b:s6+s2], $0x80, $0x38;
	[tilespmem:$0x1C400] =	vst v63  }
0x97: {  	s20 =	rddreg [dreg:$0xc]  }
0x98: {  	[tilespmem:s13], [sflag:$0x1] =	stream.linear.gather [hbm4b:s20+s2], $0x80, $0x38;
	[tilespmem:$0x1C400] =	vst v63  }
0x99: {  	s6 =	rddreg [dreg:$0xd]  }
0x9a: {  	[tilespmem:s25], [sflag:$0x1] =	stream.linear.gather [hbm4b:s6+s2], $0x80, $0x38;
	[tilespmem:$0x1C400] =	vst v63  }
0x9b: {  	_ =	swait.ge [sflag:s16], $0x80  }
0x9c: {  	[sflag:s16] =	ssyncset.done $0x0  }
0x9d: {  	[sflag:s16] =	ssyncadd.s32 $0xFFFFFF80  }
0x9e: {  	[tilespmem:s5], [sflag:$0x4] =	stream.indirect.gather [hbm4b:s4+s17], $0x80, s2, s17, $0xb8;
	[tilespmem:$0x1C400] =	vst v63  }
0x9f: {  	_ =	swait.ge [sflag:s15], $0x80  }
0xa0: {  	[sflag:s15] =	ssyncset.done $0x0  }
0xa1: {  	s21 =	simm.s32 $0x4400;
	[sflag:s15] =	ssyncadd.s32 $0xFFFFFF80  }
0xa2: {  	[tilespmem:s21], [sflag:$0x5] =	stream.indirect.gather [hbm4b:s3+s17], $0x80, s29, s17, $0xb8;
	[tilespmem:$0x1C400] =	vst v63  }
0xa3: {  	_ =	swait.ge [sflag:s0], $0x80  }
0xa4: {  	[sflag:s0] =	ssyncset.done $0x0  }
0xa5: {  	[sflag:s0] =	ssyncadd.s32 $0xFFFFFF80  }
0xa6: {  	_ =	swait.ge [sflag:s0], $0x80  }
0xa7: {  	[sflag:s0] =	ssyncset.done $0x0  }
0xa8: {  	[sflag:s0] =	ssyncadd.s32 $0xFFFFFF80  }
0xa9: {  	_ =	swait.ge [sflag:s0], $0x80  }
0xaa: {  	[sflag:s0] =	ssyncset.done $0x0  }
0xab: {  	[sflag:s0] =	ssyncadd.s32 $0xFFFFFF80  }
0xac: {  	_ =	swait.ge [sflag:s0], $0x80  }
0xad: {  	[sflag:s0] =	ssyncset.done $0x0  }
0xae: {  	[sflag:s0] =	ssyncadd.s32 $0xFFFFFF80  }
0xaf: {  	_ =	swait.ge [sflag:s0], $0x80  }
0xb0: {  	[sflag:s0] =	ssyncset.done $0x0  }
0xb1: {  	[sflag:s0] =	ssyncadd.s32 $0xFFFFFF80  }
0xb2: {  	_ =	swait.ge [sflag:s0], $0x80  }
0xb3: {  	[sflag:s0] =	ssyncset.done $0x0  }
0xb4: {  	s29 =	simm.s32 $0x8400;
	[sflag:s0] =	ssyncadd.s32 $0xFFFFFF80  }
0xb5: {  	[tilespmem:s29], [sflag:$0x6] =	stream.indirect.gather [hbm4b:s4+s17], $0x80, s17, s17, $0xb8;
	[tilespmem:$0x1C400] =	vst v63  }
0xb6: {  	s6 =	simm.s32 $0xC400  }
0xb7: {  	[tilespmem:s6], [sflag:$0x7] =	stream.indirect.gather [hbm4b:s3+s17], $0x80, s28, s17, $0xb8;
	[tilespmem:$0x1C400] =	vst v63  }
0xb8: {  	s28 =	simm.s32 $0x10400  }
0xb9: {  	[tilespmem:s28], [sflag:$0x8] =	stream.indirect.gather [hbm4b:s4+s17], $0x80, s30, s17, $0xb8;
	[tilespmem:$0x1C400] =	vst v63  }
0xba: {  	s30 =	simm.s32 $0x14400  }
0xbb: {  	[tilespmem:s30], [sflag:$0x9] =	stream.indirect.gather [hbm4b:s3+s17], $0x80, s24, s17, $0xb8;
	[tilespmem:$0x1C400] =	vst v63  }
0xbc: {  	_ =	swait.ge [sflag:s10], $0x4000  }
0xbd: {  	[sflag:s10] =	ssyncset.done $0x0  }
0xbe: {  	s24 =	rddreg [dreg:$0xe];
	[sflag:s10] =	ssyncadd.s32 $0xFFFFC000  }
0xbf: {  	[hbm4b:s24+s2] =	stream.linear.scatter [tilespmem:s5], [sflag:$0xB], $0x4000, $0x38;
	[tilespmem:$0x1C400] =	vst v63  }
0xc0: {  	s24 =	simm.s32 $0x18400  }
0xc1: {  	[tilespmem:s24], [sflag:$0xA] =	stream.indirect.gather [hbm4b:s4+s17], $0x80, s13, s17, $0xb8;
	[tilespmem:$0x1C400] =	vst v63  }
0xc2: {  	_ =	swait.ge [sflag:s1], $0x4000  }
0xc3: {  	[sflag:s1] =	ssyncset.done $0x0  }
0xc4: {  	s20 =	rddreg [dreg:$0xf];
	[sflag:s1] =	ssyncadd.s32 $0xFFFFC000  }
0xc5: {  	[hbm4b:s20+s2] =	stream.linear.scatter [tilespmem:s21], [sflag:$0xC], $0x4000, $0x38;
	[tilespmem:$0x1C400] =	vst v63  }
0xc6: {  	_ =	swait.ge [sflag:s8], $0x4000  }
0xc7: {  	[sflag:s8] =	ssyncset.done $0x0  }
0xc8: {  	[sflag:s8] =	ssyncadd.s32 $0xFFFFC000  }
0xc9: {  	[tilespmem:s5], [sflag:$0x4] =	stream.indirect.gather [hbm4b:s3+s17], $0x80, s25, s17, $0xb8;
	[tilespmem:$0x1C400] =	vst v63  }
0xca: {  	_ =	swait.ge [sflag:s31], $0x4000  }
0xcb: {  	[sflag:s31] =	ssyncset.done $0x0  }
0xcc: {  	s21 =	rddreg [dreg:$0x10];
	[sflag:s31] =	ssyncadd.s32 $0xFFFFC000  }
0xcd: {  	[hbm4b:s21+s2] =	stream.linear.scatter [tilespmem:s29], [sflag:$0xD], $0x4000, $0x38;
	[tilespmem:$0x1C400] =	vst v63  }
0xce: {  	_ =	swait.ge [sflag:s26], $0x4000  }
0xcf: {  	[sflag:s26] =	ssyncset.done $0x0  }
0xd0: {  	s29 =	rddreg [dreg:$0x11];
	[sflag:s26] =	ssyncadd.s32 $0xFFFFC000  }
0xd1: {  	[hbm4b:s29+s2] =	stream.linear.scatter [tilespmem:s6], [sflag:$0xE], $0x4000, $0x38;
	[tilespmem:$0x1C400] =	vst v63  }
0xd2: {  	_ =	swait.ge [sflag:s23], $0x4000  }
0xd3: {  	[sflag:s23] =	ssyncset.done $0x0  }
0xd4: {  	s21 =	rddreg [dreg:$0x12];
	[sflag:s23] =	ssyncadd.s32 $0xFFFFC000  }
0xd5: {  	[hbm4b:s21+s2] =	stream.linear.scatter [tilespmem:s28], [sflag:$0xF], $0x4000, $0x38;
	[tilespmem:$0x1C400] =	vst v63  }
0xd6: {  	_ =	swait.ge [sflag:s22], $0x4000  }
0xd7: {  	[sflag:s22] =	ssyncset.done $0x0  }
0xd8: {  	s28 =	rddreg [dreg:$0x13];
	[sflag:s22] =	ssyncadd.s32 $0xFFFFC000  }
0xd9: {  	[hbm4b:s28+s2] =	stream.linear.scatter [tilespmem:s30], [sflag:$0x10], $0x4000, $0x38;
	[tilespmem:$0x1C400] =	vst v63  }
0xda: {  	_ =	swait.ge [sflag:s19], $0x4000  }
0xdb: {  	[sflag:s19] =	ssyncset.done $0x0  }
0xdc: {  	s29 =	rddreg [dreg:$0x14];
	[sflag:s19] =	ssyncadd.s32 $0xFFFFC000  }
0xdd: {  	[hbm4b:s29+s2] =	stream.linear.scatter [tilespmem:s24], [sflag:$0x11], $0x4000, $0x38;
	[tilespmem:$0x1C400] =	vst v63  }
0xde: {  	_ =	swait.ge [sflag:s10], $0x4000  }
0xdf: {  	[sflag:s10] =	ssyncset.done $0x0  }
0xe0: {  	s30 =	rddreg [dreg:$0x15];
	[sflag:s10] =	ssyncadd.s32 $0xFFFFC000  }
0xe1: {  	[hbm4b:s30+s2] =	stream.linear.scatter [tilespmem:s5], [sflag:$0xB], $0x4000, $0x38;
	[tilespmem:$0x1C400] =	vst v63  }
0xe2: {  	_ =	swait.ge [sflag:s8], $0x4000  }
0xe3: {  	[sflag:s8] =	ssyncset.done $0x0  }
0xe4: {  	[sflag:s8] =	ssyncadd.s32 $0xFFFFC000  }
0xe5: {  	_ =	swait.ge [sflag:s14], $0x4000  }
0xe6: {  	[sflag:s14] =	ssyncset.done $0x0  }
0xe7: {  	[sflag:s14] =	ssyncadd.s32 $0xFFFFC000  }
0xe8: {  	_ =	swait.ge [sflag:s12], $0x4000  }
0xe9: {  	[sflag:s12] =	ssyncset.done $0x0  }
0xea: {  	[sflag:s12] =	ssyncadd.s32 $0xFFFFC000  }
0xeb: {  	_ =	swait.ge [sflag:s11], $0x4000  }
0xec: {  	[sflag:s11] =	ssyncset.done $0x0  }
0xed: {  	[sflag:s11] =	ssyncadd.s32 $0xFFFFC000  }
0xee: {  	_ =	swait.ge [sflag:s9], $0x4000  }
0xef: {  	[sflag:s9] =	ssyncset.done $0x0  }
0xf0: {  	p1 =	sne.s32 s18, $0x1;
	[sflag:s9] =	ssyncadd.s32 $0xFFFFC000  }
.Ltmp2:
0xf1: {  	_ =	swait.ge [sflag:s7], $0x4000;
	(pc) =	sbr.rel @p1 .LBB2_3-.Ltmp2, $4  }
0xf2: {  	[sflag:s7] =	ssyncset.done $0x0  }
0xf3: {  	s6 =	simm.s32 $0x11;
	[sflag:s7] =	ssyncadd.s32 $0xFFFFC000  }
0xf4: {  	_ =	swait.ge [sflag:s6], $0x4000  }
0xf5: {  	s18 =	sadd.s32 $0xFFFFFFFF, s18;
	s20 =	rddreg [dreg:$0x6];
	[sflag:s6] =	ssyncset.done $0x0  }
0xf6: {  	s21 =	stileid.u32  }
.LBB2_5:
0xf7: {  	[sflag:s6] =	ssyncadd.s32 @p0 $0xFFFFC000  }
0xf8: {  	[tilespmem:s2], [sflag:$0x2] =	stream.linear.gather [hbm4b:s20+s2], $0x80, $0x38;
	[tilespmem:$0x1C400] =	vst v63  }
0xf9: {  	s18 =	rddreg [dreg:$0x7];
	s24 =	simm.s32 $0x200  }
0xfa: {  	[tilespmem:s24], [sflag:$0x3] =	stream.linear.gather [hbm4b:s18+s2], $0x80, $0x38;
	[tilespmem:$0x1C400] =	vst v63  }
0xfb: {  	s28 =	rddreg [dreg:$0x8]  }
0xfc: {  	[tilespmem:s17], [sflag:$0x1] =	stream.linear.gather [hbm4b:s28+s2], $0x80, $0x38;
	[tilespmem:$0x1C400] =	vst v63  }
0xfd: {  	s29 =	rddreg [dreg:$0x9];
	s13 =	simm.s32 $0x280  }
0xfe: {  	[tilespmem:s13], [sflag:$0x1] =	stream.linear.gather [hbm4b:s29+s2], $0x80, $0x38;
	[tilespmem:$0x1C400] =	vst v63  }
0xff: {  	s30 =	rddreg [dreg:$0xa];
	s29 =	simm.s32 $0x100  }
0x100: {  	[tilespmem:s29], [sflag:$0x1] =	stream.linear.gather [hbm4b:s30+s2], $0x80, $0x38;
	[tilespmem:$0x1C400] =	vst v63  }
0x101: {  	s25 =	rddreg [dreg:$0xb];
	s30 =	simm.s32 $0x300  }
0x102: {  	[tilespmem:s30], [sflag:$0x1] =	stream.linear.gather [hbm4b:s25+s2], $0x80, $0x38;
	[tilespmem:$0x1C400] =	vst v63  }
0x103: {  	s20 =	rddreg [dreg:$0xc];
	s25 =	simm.s32 $0x180  }
0x104: {  	[tilespmem:s25], [sflag:$0x1] =	stream.linear.gather [hbm4b:s20+s2], $0x80, $0x38;
	[tilespmem:$0x1C400] =	vst v63  }
0x105: {  	s28 =	rddreg [dreg:$0xd];
	s20 =	simm.s32 $0x380  }
0x106: {  	[tilespmem:s20], [sflag:$0x1] =	stream.linear.gather [hbm4b:s28+s2], $0x80, $0x38;
	[tilespmem:$0x1C400] =	vst v63  }
0x107: {  	_ =	swait.ge [sflag:s16], $0x80  }
0x108: {  	[sflag:s16] =	ssyncset.done $0x0  }
0x109: {  	[sflag:s16] =	ssyncadd.s32 $0xFFFFFF80  }
0x10a: {  	[tilespmem:s5], [sflag:$0x4] =	stream.indirect.gather [hbm4b:s4+s17], $0x80, s2, s17, $0xb8;
	[tilespmem:$0x1C400] =	vst v63  }
0x10b: {  	_ =	swait.ge [sflag:s15], $0x80  }
0x10c: {  	[sflag:s15] =	ssyncset.done $0x0  }
0x10d: {  	s28 =	simm.s32 $0x4400;
	[sflag:s15] =	ssyncadd.s32 $0xFFFFFF80  }
0x10e: {  	[tilespmem:s28], [sflag:$0x5] =	stream.indirect.gather [hbm4b:s3+s17], $0x80, s24, s17, $0xb8;
	[tilespmem:$0x1C400] =	vst v63  }
0x10f: {  	_ =	swait.ge [sflag:s0], $0x80  }
0x110: {  	[sflag:s0] =	ssyncset.done $0x0  }
0x111: {  	[sflag:s0] =	ssyncadd.s32 $0xFFFFFF80  }
0x112: {  	_ =	swait.ge [sflag:s0], $0x80  }
0x113: {  	[sflag:s0] =	ssyncset.done $0x0  }
0x114: {  	[sflag:s0] =	ssyncadd.s32 $0xFFFFFF80  }
0x115: {  	_ =	swait.ge [sflag:s0], $0x80  }
0x116: {  	[sflag:s0] =	ssyncset.done $0x0  }
0x117: {  	[sflag:s0] =	ssyncadd.s32 $0xFFFFFF80  }
0x118: {  	_ =	swait.ge [sflag:s0], $0x80  }
0x119: {  	[sflag:s0] =	ssyncset.done $0x0  }
0x11a: {  	[sflag:s0] =	ssyncadd.s32 $0xFFFFFF80  }
0x11b: {  	_ =	swait.ge [sflag:s0], $0x80  }
0x11c: {  	[sflag:s0] =	ssyncset.done $0x0  }
0x11d: {  	[sflag:s0] =	ssyncadd.s32 $0xFFFFFF80  }
0x11e: {  	_ =	swait.ge [sflag:s0], $0x80  }
0x11f: {  	[sflag:s0] =	ssyncset.done $0x0  }
0x120: {  	s24 =	simm.s32 $0x8400;
	[sflag:s0] =	ssyncadd.s32 $0xFFFFFF80  }
0x121: {  	[tilespmem:s24], [sflag:$0x6] =	stream.indirect.gather [hbm4b:s4+s17], $0x80, s17, s17, $0xb8;
	[tilespmem:$0x1C400] =	vst v63  }
0x122: {  	s18 =	simm.s32 $0xC400  }
0x123: {  	[tilespmem:s18], [sflag:$0x7] =	stream.indirect.gather [hbm4b:s3+s17], $0x80, s13, s17, $0xb8;
	[tilespmem:$0x1C400] =	vst v63  }
0x124: {  	s16 =	simm.s32 $0x10400  }
0x125: {  	[tilespmem:s16], [sflag:$0x8] =	stream.indirect.gather [hbm4b:s4+s17], $0x80, s29, s17, $0xb8;
	[tilespmem:$0x1C400] =	vst v63  }
0x126: {  	s15 =	simm.s32 $0x14400  }
0x127: {  	[tilespmem:s15], [sflag:$0x9] =	stream.indirect.gather [hbm4b:s3+s17], $0x80, s30, s17, $0xb8;
	[tilespmem:$0x1C400] =	vst v63  }
0x128: {  	_ =	swait.ge [sflag:s10], $0x4000  }
0x129: {  	[sflag:s10] =	ssyncset.done $0x0  }
0x12a: {  	s30 =	rddreg [dreg:$0xe];
	[sflag:s10] =	ssyncadd.s32 $0xFFFFC000  }
0x12b: {  	[hbm4b:s30+s2] =	stream.linear.scatter [tilespmem:s5], [sflag:$0xB], $0x4000, $0x38;
	[tilespmem:$0x1C400] =	vst v63  }
0x12c: {  	s13 =	simm.s32 $0x18400  }
0x12d: {  	[tilespmem:s13], [sflag:$0xA] =	stream.indirect.gather [hbm4b:s4+s17], $0x80, s25, s17, $0xb8;
	[tilespmem:$0x1C400] =	vst v63  }
0x12e: {  	_ =	swait.ge [sflag:s1], $0x4000  }
0x12f: {  	[sflag:s1] =	ssyncset.done $0x0  }
0x130: {  	s4 =	rddreg [dreg:$0xf];
	[sflag:s1] =	ssyncadd.s32 $0xFFFFC000  }
0x131: {  	[hbm4b:s4+s2] =	stream.linear.scatter [tilespmem:s28], [sflag:$0xC], $0x4000, $0x38;
	[tilespmem:$0x1C400] =	vst v63  }
0x132: {  	_ =	swait.ge [sflag:s8], $0x4000  }
0x133: {  	[sflag:s8] =	ssyncset.done $0x0  }
0x134: {  	[sflag:s8] =	ssyncadd.s32 $0xFFFFC000  }
0x135: {  	[tilespmem:s5], [sflag:$0x4] =	stream.indirect.gather [hbm4b:s3+s17], $0x80, s20, s17, $0xb8;
	[tilespmem:$0x1C400] =	vst v63  }
0x136: {  	_ =	swait.ge [sflag:s31], $0x4000  }
0x137: {  	[sflag:s31] =	ssyncset.done $0x0  }
0x138: {  	s20 =	rddreg [dreg:$0x10];
	[sflag:s31] =	ssyncadd.s32 $0xFFFFC000  }
0x139: {  	[hbm4b:s20+s2] =	stream.linear.scatter [tilespmem:s24], [sflag:$0xD], $0x4000, $0x38;
	[tilespmem:$0x1C400] =	vst v63  }
0x13a: {  	_ =	swait.ge [sflag:s26], $0x4000  }
0x13b: {  	[sflag:s26] =	ssyncset.done $0x0  }
0x13c: {  	s25 =	rddreg [dreg:$0x11];
	[sflag:s26] =	ssyncadd.s32 $0xFFFFC000  }
0x13d: {  	[hbm4b:s25+s2] =	stream.linear.scatter [tilespmem:s18], [sflag:$0xE], $0x4000, $0x38;
	[tilespmem:$0x1C400] =	vst v63  }
0x13e: {  	_ =	swait.ge [sflag:s23], $0x4000  }
0x13f: {  	[sflag:s23] =	ssyncset.done $0x0  }
0x140: {  	s28 =	rddreg [dreg:$0x12];
	[sflag:s23] =	ssyncadd.s32 $0xFFFFC000  }
0x141: {  	[hbm4b:s28+s2] =	stream.linear.scatter [tilespmem:s16], [sflag:$0xF], $0x4000, $0x38;
	[tilespmem:$0x1C400] =	vst v63  }
0x142: {  	_ =	swait.ge [sflag:s22], $0x4000  }
0x143: {  	[sflag:s22] =	ssyncset.done $0x0  }
0x144: {  	s29 =	rddreg [dreg:$0x13];
	[sflag:s22] =	ssyncadd.s32 $0xFFFFC000  }
0x145: {  	[hbm4b:s29+s2] =	stream.linear.scatter [tilespmem:s15], [sflag:$0x10], $0x4000, $0x38;
	[tilespmem:$0x1C400] =	vst v63  }
0x146: {  	_ =	swait.ge [sflag:s19], $0x4000  }
0x147: {  	[sflag:s19] =	ssyncset.done $0x0  }
0x148: {  	s30 =	rddreg [dreg:$0x14];
	[sflag:s19] =	ssyncadd.s32 $0xFFFFC000  }
0x149: {  	[hbm4b:s30+s2] =	stream.linear.scatter [tilespmem:s13], [sflag:$0x11], $0x4000, $0x38;
	[tilespmem:$0x1C400] =	vst v63  }
0x14a: {  	_ =	swait.ge [sflag:s10], $0x4000  }
0x14b: {  	[sflag:s10] =	ssyncset.done $0x0  }
0x14c: {  	s31 =	rddreg [dreg:$0x15];
	[sflag:s10] =	ssyncadd.s32 $0xFFFFC000  }
0x14d: {  	[hbm4b:s31+s2] =	stream.linear.scatter [tilespmem:s5], [sflag:$0xB], $0x4000, $0x38;
	[tilespmem:$0x1C400] =	vst v63  }
0x14e: {  	_ =	swait.ge [sflag:s8], $0x4000  }
0x14f: {  	[sflag:s8] =	ssyncset.done $0x0  }
0x150: {  	[sflag:s8] =	ssyncadd.s32 $0xFFFFC000  }
0x151: {  	_ =	swait.ge [sflag:s14], $0x4000  }
0x152: {  	[sflag:s14] =	ssyncset.done $0x0  }
0x153: {  	[sflag:s14] =	ssyncadd.s32 $0xFFFFC000  }
0x154: {  	_ =	swait.ge [sflag:s12], $0x4000  }
0x155: {  	[sflag:s12] =	ssyncset.done $0x0  }
0x156: {  	[sflag:s12] =	ssyncadd.s32 $0xFFFFC000  }
0x157: {  	_ =	swait.ge [sflag:s11], $0x4000  }
0x158: {  	[sflag:s11] =	ssyncset.done $0x0  }
0x159: {  	[sflag:s11] =	ssyncadd.s32 $0xFFFFC000  }
0x15a: {  	_ =	swait.ge [sflag:s9], $0x4000  }
0x15b: {  	[sflag:s9] =	ssyncset.done $0x0  }
0x15c: {  	[sflag:s9] =	ssyncadd.s32 $0xFFFFC000  }
0x15d: {  	_ =	swait.ge [sflag:s7], $0x4000  }
0x15e: {  	[sflag:s7] =	ssyncset.done $0x0  }
0x15f: {  	[sflag:s7] =	ssyncadd.s32 $0xFFFFC000  }
0x160: {  	_ =	swait.ge [sflag:s6], $0x4000  }
0x161: {  	[sflag:s6] =	ssyncset.done $0x0  }
0x162: {  	[sflag:s6] =	ssyncadd.s32 $0xFFFFC000  }
0x163: {  	_ =	sfence.sel $0x180000  }
0x164: {  	[bflag:$0x0] =	sbarrier.arrive $0xFFFF  }
0x165: {  	_ =	strace $0x90000047  }
0x166: {  	[bflag:$0x2] =	sbarrier.arrive $0xFFFF  }
0x167: {  	p0 =	sne.s32 s21, $0x0;
	s0 =	rddreg [dreg:$0x5]  }
0x168: {  	s0 =	sadd.s32 @!p0 $0x100000, s0  }
0x169: {  	[sflag:s0] =	ssyncadd.tile.s32 @!p0 $0x1;
	_ =	shalt  }
.LBB2_6:
.Ltmp3:
0x16a: {  	(pc) =	sbr.rel .LBB2_5-.Ltmp3, $2  }
0x16b: {  	_ =	sdelay $0x2  }
0x16c: {  	s21 =	stileid.u32  }
.Lfunc_end2:
_tile_overlayer_lowered:
.L_overlay_start_2:
0x16d: {  	(tag) =	ssettag $0x2  }
0x16e: {  	s0 =	rddreg [dreg:$0x0];
	s2 =	stileid.u32  }
0x16f: {  	s1 =	rddreg [dreg:$0x1];
	p0 =	sne.s32 s2, $0x0  }
0x170: {  	s3 =	rddreg [dreg:$0x2];
	[bflag:$0x3] =	sbarrier.arrive $0xFFFF;
	s2 =	simm.s32 @!p0 $0x1C12  }
0x171: {  	[timem:s3], [sflag:s2] =	dma.local @!p0 [hbm:s0], s1  }
0x172: {  	s0 =	simm.s32 @!p0 $0x12  }
0x173: {  	_ =	swait.ge @!p0 [sflag:s0], s1  }
0x174: {  	s1 =	ssub.s32 @!p0 $0x0, s1;
	[sflag:s0] =	ssyncset.done @!p0 $0x0  }
0x175: {  	[sflag:s0] =	ssyncadd.s32 @!p0 s1  }
0x176: {  	[bflag:$0x3] =	sbarrier.arrive $0xFFFF  }
0x177: {  	_ =	shalt  }

</sc_bundles>
